<compile_context>
chip_gen: v7x
topology: tpu7x:2x2x1
jax: 0.10.2.dev20260603
libtpu: 0.0.44.dev20260713+nightly
codegen_flags: <defaults>
</compile_context>

<pallas_src>
import functools

import jax
import jax.numpy as jnp
from jax import lax
from jax.experimental import pallas as pl
from jax.experimental.pallas import tpu as pltpu
from jax.experimental.pallas import tpu_sc as plsc

_U = 10000
_V = 10000
_N = _U + _V
_F = 512
_R = 5
_E = 30000
_ED = _R * _E

_FC = 4
_FW = 128

_NC = 2
_NS = 16
_B = 125
_BP = 128
_NB = 76
_EDP = _NS * _NB * _B
_VP = 10240
_DUMMY = _VP
_ACC_ROWS = _VP + 16
_RPT = _VP // _NS


def _mm_body(x_ref, w_ref, o_ref):
    o_ref[...] = jnp.dot(x_ref[...], w_ref[0],
                         preferred_element_type=jnp.float32)


_MBLK = 2000


def _project(x, weight):
    grid = (_N // _MBLK, _R, _FC)
    return pl.pallas_call(
        _mm_body,
        grid=grid,
        in_specs=[
            pl.BlockSpec((_MBLK, _F), lambda m, i, f: (m, 0)),
            pl.BlockSpec((1, _F, _FW), lambda m, i, f: (i, 0, f)),
        ],
        out_specs=pl.BlockSpec(
            (_MBLK, _FW),
            lambda m, i, f: (f * (_R * _N // _MBLK) + i * (_N // _MBLK) + m, 0)),
        out_shape=jax.ShapeDtypeStruct((_FC * _R * _N, _FW), jnp.float32),
    )(x, weight)


def _sc_agg(table, srcs, dsts, zeros):
    mesh = plsc.VectorSubcoreMesh(core_axis_name="c", subcore_axis_name="s")

    @functools.partial(
        pl.kernel,
        mesh=mesh,
        out_type=jax.ShapeDtypeStruct((_NC, _FC, _VP, _FW), jnp.float32),
        scratch_types=[
            pltpu.VMEM((_NB // 2, _BP), jnp.int32),
            pltpu.VMEM((_NB // 2, _BP), jnp.int32),
            pltpu.VMEM((_BP, _FW), jnp.float32),
            pltpu.VMEM((_BP, _FW), jnp.float32),
            pltpu.VMEM_SHARED((_ACC_ROWS, _FW), jnp.float32),
            pltpu.SemaphoreType.DMA,
            pltpu.SemaphoreType.DMA,
            pltpu.SemaphoreType.DMA,
            pltpu.SemaphoreType.DMA,
        ],
    )
    def body(table_h, srcs_h, dsts_h, zeros_h, out_h,
             src_v, dst_v, rows_a, rows_b, acc,
             sem_ga, sem_gb, sem_sa, sem_sb):
        c = lax.axis_index("c")
        s = lax.axis_index("s")
        row0 = s * _RPT
        for fc in range(_FC):
            pltpu.sync_copy(zeros_h, acc.at[pl.ds(row0, _RPT)])

            @pl.when(s == _NS - 1)
            def _():
                pltpu.sync_copy(zeros_h.at[pl.ds(0, 16)],
                                acc.at[pl.ds(_VP, 16)])

            plsc.subcore_barrier()

            def step(h, _):
                b0 = 2 * h
                b1 = b0 + 1
                ga = pltpu.async_copy(table_h.at[src_v.at[b0]], rows_a,
                                      sem_ga)
                gb = pltpu.async_copy(table_h.at[src_v.at[b1]], rows_b,
                                      sem_gb)
                ga.wait()
                pltpu.sync_copy(rows_a, acc.at[dst_v.at[b0]], add=True)
                gb.wait()
                pltpu.sync_copy(rows_b, acc.at[dst_v.at[b1]], add=True)
                return _

            for half in range(2):
                pltpu.sync_copy(srcs_h.at[fc, c, s, half], src_v)
                pltpu.sync_copy(dsts_h.at[c, s, half], dst_v)
                lax.fori_loop(0, _NB // 4, step, None)
            plsc.subcore_barrier()
            pltpu.sync_copy(acc.at[pl.ds(row0, _RPT)],
                            out_h.at[c, fc, pl.ds(row0, _RPT)])
            plsc.subcore_barrier()

    return body(table, srcs, dsts, zeros)


def _scale_body(a0_ref, a1_ref, cu_ref, cv_ref, hu_ref, hv_ref):
    cv = cv_ref[...]
    cu = cu_ref[...]
    hv_ref[...] = a0_ref[0, 0] * (cv * cv)
    hu_ref[...] = a1_ref[0, 0] * (cu * cu)


def _scale(acc, ci_u, ci_v):
    grid = (_V // _MBLK, _FC)
    return pl.pallas_call(
        _scale_body,
        grid=grid,
        in_specs=[
            pl.BlockSpec((1, 1, _MBLK, _FW), lambda m, f: (0, f, m, 0)),
            pl.BlockSpec((1, 1, _MBLK, _FW), lambda m, f: (1, f, m, 0)),
            pl.BlockSpec((_MBLK, 1), lambda m, f: (m, 0)),
            pl.BlockSpec((_MBLK, 1), lambda m, f: (m, 0)),
        ],
        out_specs=[
            pl.BlockSpec((_MBLK, _FW), lambda m, f: (m, f)),
            pl.BlockSpec((_MBLK, _FW), lambda m, f: (m, f)),
        ],
        out_shape=[
            jax.ShapeDtypeStruct((_U, _F), jnp.float32),
            jax.ShapeDtypeStruct((_V, _F), jnp.float32),
        ],
    )(acc, acc, ci_u, ci_v)


def kernel(x_u, x_v, ci_u, ci_v, edge_u, edge_v, weight):
    x = jnp.concatenate([x_u, x_v], axis=0)
    table = _project(x, weight)

    def _tile_split(a, pad_val):
        flat = a.reshape(-1)
        flat = jnp.pad(flat, (0, _EDP - _ED), constant_values=pad_val)
        return flat.reshape(_NS, 2, _NB // 2, _B)

    roff = (jnp.arange(_R, dtype=jnp.int32) * _N)[:, None]
    src_v = _tile_split(edge_u + roff, 0)
    src_u = _tile_split(edge_v + roff + _U, 0)
    src = jnp.stack([src_v, src_u])
    src = jnp.pad(src, ((0, 0),) * 4 + ((0, _BP - _B),))
    fcoff = (jnp.arange(_FC, dtype=jnp.int32) * (_R * _N)
             ).reshape(_FC, 1, 1, 1, 1, 1)
    srcs = src[None] + fcoff

    dst = jnp.stack([_tile_split(edge_v, _DUMMY),
                     _tile_split(edge_u, _DUMMY)])
    dsts = jnp.pad(dst, ((0, 0),) * 4 + ((0, _BP - _B),),
                   constant_values=_DUMMY)

    zeros = jnp.zeros((_RPT, _FW), jnp.float32)
    acc = _sc_agg(table, srcs, dsts, zeros)

    h_u, h_v = _scale(acc, ci_u[:, None], ci_v[:, None])
    return (h_u, h_v)

# --- scband reference (transcript-rebuilt; emitter-appended) ---
"""Pipeline reference for scband-graph-cov-layer-46574625357937 (READ-ONLY COPY).

The authoritative reference and input builder live on the scoring server;
editing this copy changes nothing except your own understanding.
"""

import jax, jax.numpy as jnp
import numpy as np

U_NUM = 10000
V_NUM = 10000
IN_FEAT = 512
HID_FEAT = 512
NUM_RATINGS = 5
E_PER_RATING = 30000


def setup_inputs(seed: int = 0) -> dict:
    key = jax.random.key(seed)
    ks = jax.random.split(key, 7)
    x_u = jax.random.normal(ks[0], (U_NUM, IN_FEAT), dtype=jnp.float32)
    x_v = jax.random.normal(ks[1], (V_NUM, IN_FEAT), dtype=jnp.float32)
    ci_u = jax.random.uniform(ks[2], (U_NUM,), dtype=jnp.float32)
    ci_v = jax.random.uniform(ks[3], (V_NUM,), dtype=jnp.float32)
    edge_u = jax.random.randint(ks[4], (NUM_RATINGS, E_PER_RATING), 0, U_NUM, dtype=jnp.int32)
    edge_v = jax.random.randint(ks[5], (NUM_RATINGS, E_PER_RATING), 0, V_NUM, dtype=jnp.int32)
    # xavier_uniform with relu gain, per nn.init.xavier_uniform_ on (R, in, hid):
    # fan_in = IN_FEAT, fan_out = HID_FEAT (last two dims)
    gain = float(np.sqrt(2.0))
    bound = gain * float(np.sqrt(6.0 / (IN_FEAT + HID_FEAT)))
    weight = jax.random.uniform(ks[6], (NUM_RATINGS, IN_FEAT, HID_FEAT), dtype=jnp.float32, minval=-bound, maxval=bound)
    return {"x_u": x_u, "x_v": x_v, "ci_u": ci_u, "ci_v": ci_v, "edge_u": edge_u, "edge_v": edge_v, "weight": weight}


def reference(x_u, x_v, ci_u, ci_v, edge_u, edge_v, weight):
    # norm='left', accum='sum', w_sharing=False, dropout=0, activation=None
    h_u_acc = jnp.zeros((U_NUM, HID_FEAT), dtype=jnp.float32)
    h_v_acc = jnp.zeros((V_NUM, HID_FEAT), dtype=jnp.float32)
    for i in range(NUM_RATINGS):
        pu = jnp.matmul(x_u, weight[i])  # [U, hid]
        pv = jnp.matmul(x_v, weight[i])  # [V, hid]
        # forward etype i: user -> item (copy_u 'h_i', sum into item 'h')
        h_v_acc = h_v_acc + jax.ops.segment_sum(pu[edge_u[i]], edge_v[i], num_segments=V_NUM)
        # reverse etype i: item -> user
        h_u_acc = h_u_acc + jax.ops.segment_sum(pv[edge_v[i]], edge_u[i], num_segments=U_NUM)
    # norm != 'symmetric' branch: multiply by ci twice
    h_u = h_u_acc * ci_u[:, None] * ci_u[:, None]
    h_v = h_v_acc * ci_v[:, None] * ci_v[:, None]
    return (h_u, h_v)

if __name__ == "__main__":
    import jax
    _d = setup_inputs()
    print(jax.jit(kernel)(*tuple(_d.values())))

</pallas_src>

<mosaic_0001>
#map = affine_map<(d0, d1) -> (0, 0)>
#map1 = affine_map<(d0, d1) -> (0, 0, 0, 0, 0, 0)>
#map2 = affine_map<(d0, d1) -> (0, 0, 0, 0, 0)>
#map3 = affine_map<(d0, d1) -> (0, 0, 0, 0)>
module attributes {stable_mosaic.version = 14 : i64} {
  func.func @body(%arg0: i32, %arg1: i32, %arg2: memref<400000x128xf32, #tpu.memory_space<hbm>>, %arg3: memref<4x2x16x2x38x128xi32, #tpu.memory_space<hbm>>, %arg4: memref<2x16x2x38x128xi32, #tpu.memory_space<hbm>>, %arg5: memref<640x128xf32, #tpu.memory_space<hbm>>, %arg6: memref<2x4x10240x128xf32, #tpu.memory_space<hbm>>, %arg7: memref<38x128xi32, #tpu.memory_space<vmem>>, %arg8: memref<38x128xi32, #tpu.memory_space<vmem>>, %arg9: memref<128x128xf32, #tpu.memory_space<vmem>>, %arg10: memref<128x128xf32, #tpu.memory_space<vmem>>, %arg11: memref<10256x128xf32, #tpu.memory_space<vmem_shared>>, %arg12: memref<!tpu.dma_semaphore, #tpu.memory_space<semaphore_mem>>, %arg13: memref<!tpu.dma_semaphore, #tpu.memory_space<semaphore_mem>>, %arg14: memref<!tpu.dma_semaphore, #tpu.memory_space<semaphore_mem>>, %arg15: memref<!tpu.dma_semaphore, #tpu.memory_space<semaphore_mem>>) attributes {dimension_semantics = [#tpu.dimension_semantics<core_parallel>, #tpu.dimension_semantics<subcore_parallel>], iteration_bounds = array<i64: 2, 16>, scalar_prefetch = 0 : i64, scratch_operands = 9 : i64, tpu.core_type = #tpu.core_type<sc_vector_subcore>, window_params = [{transform_indices = #map}, {transform_indices = #map1}, {transform_indices = #map2}, {transform_indices = #map}, {transform_indices = #map3}]} {
    %mul3A = arith.constant 640 : i32
    %mul3A_0 = arith.muli %arg1, %mul3A : i32
    "tpu.region"() ({
      %run_scoped3A_95 = tpu.sem_alloc : memref<!tpu.dma_semaphore, #tpu.memory_space<semaphore_mem>>
      %dma_start3A = arith.constant 0 : i32
      %dma_start3A_96 = tpu.memref_slice %arg11[%mul3A_0, %dma_start3A] : memref<10256x128xf32, #tpu.memory_space<vmem_shared>> -> memref<640x128xf32, #tpu.memory_space<vmem_shared>>
      tpu.enqueue_dma source(%arg5 : memref<640x128xf32, #tpu.memory_space<hbm>>) target(%dma_start3A_96 : memref<640x128xf32, #tpu.memory_space<vmem_shared>>) target_semaphore(%run_scoped3A_95 : memref<!tpu.dma_semaphore, #tpu.memory_space<semaphore_mem>>)
      %dma_wait3A = arith.constant 0 : i32
      %dma_wait3A_97 = tpu.memref_slice %arg11[%mul3A_0, %dma_wait3A] : memref<10256x128xf32, #tpu.memory_space<vmem_shared>> -> memref<640x128xf32, #tpu.memory_space<vmem_shared>>
      tpu.wait_dma2 semaphore(%run_scoped3A_95 : memref<!tpu.dma_semaphore, #tpu.memory_space<semaphore_mem>>) src(%arg5 : memref<640x128xf32, #tpu.memory_space<hbm>>) dst(%dma_wait3A_97 : memref<640x128xf32, #tpu.memory_space<vmem_shared>>)
      tpu.yield
    }) : () -> ()
    %eq3A = arith.constant 15 : i32
    %eq3A_1 = arith.cmpi eq, %arg1, %eq3A : i32
    %convert_element_type3A = arith.extui %eq3A_1 : i1 to i32
    %cond3A = arith.constant 0 : i32
    %cond3A_2 = arith.cmpi ne, %convert_element_type3A, %cond3A : i32
    scf.if %cond3A_2 {
      "tpu.region"() ({
        %run_scoped3A_95 = tpu.sem_alloc : memref<!tpu.dma_semaphore, #tpu.memory_space<semaphore_mem>>
        %dma_start3A = arith.constant 10240 : i32
        %dma_start3A_96 = arith.constant 0 : i32
        %dma_start3A_97 = tpu.memref_slice %arg11[%dma_start3A, %dma_start3A_96] : memref<10256x128xf32, #tpu.memory_space<vmem_shared>> -> memref<16x128xf32, #tpu.memory_space<vmem_shared>>
        %dma_start3A_98 = arith.constant 0 : i32
        %dma_start3A_99 = arith.constant 0 : i32
        %dma_start3A_100 = tpu.memref_slice %arg5[%dma_start3A_98, %dma_start3A_99] : memref<640x128xf32, #tpu.memory_space<hbm>> -> memref<16x128xf32, #tpu.memory_space<hbm>>
        tpu.enqueue_dma source(%dma_start3A_100 : memref<16x128xf32, #tpu.memory_space<hbm>>) target(%dma_start3A_97 : memref<16x128xf32, #tpu.memory_space<vmem_shared>>) target_semaphore(%run_scoped3A_95 : memref<!tpu.dma_semaphore, #tpu.memory_space<semaphore_mem>>)
        %dma_wait3A = arith.constant 10240 : i32
        %dma_wait3A_101 = arith.constant 0 : i32
        %dma_wait3A_102 = tpu.memref_slice %arg11[%dma_wait3A, %dma_wait3A_101] : memref<10256x128xf32, #tpu.memory_space<vmem_shared>> -> memref<16x128xf32, #tpu.memory_space<vmem_shared>>
        %dma_wait3A_103 = arith.constant 0 : i32
        %dma_wait3A_104 = arith.constant 0 : i32
        %dma_wait3A_105 = tpu.memref_slice %arg5[%dma_wait3A_103, %dma_wait3A_104] : memref<640x128xf32, #tpu.memory_space<hbm>> -> memref<16x128xf32, #tpu.memory_space<hbm>>
        tpu.wait_dma2 semaphore(%run_scoped3A_95 : memref<!tpu.dma_semaphore, #tpu.memory_space<semaphore_mem>>) src(%dma_wait3A_105 : memref<16x128xf32, #tpu.memory_space<hbm>>) dst(%dma_wait3A_102 : memref<16x128xf32, #tpu.memory_space<vmem_shared>>)
        tpu.yield
      }) : () -> ()
    } else {
    }
    %barrier3A = arith.constant 0 : index
    tpu.barrier barrier_id(%barrier3A)
    %run_scoped3A = arith.constant 0 : i32
    %run_scoped3A_3 = arith.constant 0 : i32
    "tpu.region"() ({
      %run_scoped3A_95 = tpu.sem_alloc : memref<!tpu.dma_semaphore, #tpu.memory_space<semaphore_mem>>
      %dma_start3A = arith.constant 0 : i32
      %dma_start3A_96 = arith.constant 0 : i32
      %dma_start3A_97 = tpu.memref_slice %arg3[%run_scoped3A, %arg0, %arg1, %run_scoped3A_3, %dma_start3A, %dma_start3A_96] : memref<4x2x16x2x38x128xi32, #tpu.memory_space<hbm>> -> memref<1x1x1x1x38x128xi32, #tpu.memory_space<hbm>>
      %dma_start3A_98 = tpu.memref_squeeze %dma_start3A_97 : memref<1x1x1x1x38x128xi32, #tpu.memory_space<hbm>> -> memref<38x128xi32, #tpu.memory_space<hbm>>
      %dma_start3A_99 = arith.constant 0 : i32
      %dma_start3A_100 = arith.constant 0 : i32
      %dma_start3A_101 = tpu.memref_slice %arg3[%run_scoped3A, %arg0, %arg1, %run_scoped3A_3, %dma_start3A_99, %dma_start3A_100] : memref<4x2x16x2x38x128xi32, #tpu.memory_space<hbm>> -> memref<1x1x1x1x38x128xi32, #tpu.memory_space<hbm>>
      %dma_start3A_102 = tpu.memref_squeeze %dma_start3A_101 : memref<1x1x1x1x38x128xi32, #tpu.memory_space<hbm>> -> memref<38x128xi32, #tpu.memory_space<hbm>>
      tpu.enqueue_dma source(%dma_start3A_102 : memref<38x128xi32, #tpu.memory_space<hbm>>) target(%arg7 : memref<38x128xi32, #tpu.memory_space<vmem>>) target_semaphore(%run_scoped3A_95 : memref<!tpu.dma_semaphore, #tpu.memory_space<semaphore_mem>>)
      %dma_wait3A = arith.constant 0 : i32
      %dma_wait3A_103 = arith.constant 0 : i32
      %dma_wait3A_104 = tpu.memref_slice %arg3[%run_scoped3A, %arg0, %arg1, %run_scoped3A_3, %dma_wait3A, %dma_wait3A_103] : memref<4x2x16x2x38x128xi32, #tpu.memory_space<hbm>> -> memref<1x1x1x1x38x128xi32, #tpu.memory_space<hbm>>
      %dma_wait3A_105 = tpu.memref_squeeze %dma_wait3A_104 : memref<1x1x1x1x38x128xi32, #tpu.memory_space<hbm>> -> memref<38x128xi32, #tpu.memory_space<hbm>>
      %dma_wait3A_106 = arith.constant 0 : i32
      %dma_wait3A_107 = arith.constant 0 : i32
      %dma_wait3A_108 = tpu.memref_slice %arg3[%run_scoped3A, %arg0, %arg1, %run_scoped3A_3, %dma_wait3A_106, %dma_wait3A_107] : memref<4x2x16x2x38x128xi32, #tpu.memory_space<hbm>> -> memref<1x1x1x1x38x128xi32, #tpu.memory_space<hbm>>
      %dma_wait3A_109 = tpu.memref_squeeze %dma_wait3A_108 : memref<1x1x1x1x38x128xi32, #tpu.memory_space<hbm>> -> memref<38x128xi32, #tpu.memory_space<hbm>>
      tpu.wait_dma2 semaphore(%run_scoped3A_95 : memref<!tpu.dma_semaphore, #tpu.memory_space<semaphore_mem>>) src(%dma_wait3A_109 : memref<38x128xi32, #tpu.memory_space<hbm>>) dst(%arg7 : memref<38x128xi32, #tpu.memory_space<vmem>>)
      tpu.yield
    }) : () -> ()
    %run_scoped3A_4 = arith.constant 0 : i32
    "tpu.region"() ({
      %run_scoped3A_95 = tpu.sem_alloc : memref<!tpu.dma_semaphore, #tpu.memory_space<semaphore_mem>>
      %dma_start3A = arith.constant 0 : i32
      %dma_start3A_96 = arith.constant 0 : i32
      %dma_start3A_97 = tpu.memref_slice %arg4[%arg0, %arg1, %run_scoped3A_4, %dma_start3A, %dma_start3A_96] : memref<2x16x2x38x128xi32, #tpu.memory_space<hbm>> -> memref<1x1x1x38x128xi32, #tpu.memory_space<hbm>>
      %dma_start3A_98 = tpu.memref_squeeze %dma_start3A_97 : memref<1x1x1x38x128xi32, #tpu.memory_space<hbm>> -> memref<38x128xi32, #tpu.memory_space<hbm>>
      %dma_start3A_99 = arith.constant 0 : i32
      %dma_start3A_100 = arith.constant 0 : i32
      %dma_start3A_101 = tpu.memref_slice %arg4[%arg0, %arg1, %run_scoped3A_4, %dma_start3A_99, %dma_start3A_100] : memref<2x16x2x38x128xi32, #tpu.memory_space<hbm>> -> memref<1x1x1x38x128xi32, #tpu.memory_space<hbm>>
      %dma_start3A_102 = tpu.memref_squeeze %dma_start3A_101 : memref<1x1x1x38x128xi32, #tpu.memory_space<hbm>> -> memref<38x128xi32, #tpu.memory_space<hbm>>
      tpu.enqueue_dma source(%dma_start3A_102 : memref<38x128xi32, #tpu.memory_space<hbm>>) target(%arg8 : memref<38x128xi32, #tpu.memory_space<vmem>>) target_semaphore(%run_scoped3A_95 : memref<!tpu.dma_semaphore, #tpu.memory_space<semaphore_mem>>)
      %dma_wait3A = arith.constant 0 : i32
      %dma_wait3A_103 = arith.constant 0 : i32
      %dma_wait3A_104 = tpu.memref_slice %arg4[%arg0, %arg1, %run_scoped3A_4, %dma_wait3A, %dma_wait3A_103] : memref<2x16x2x38x128xi32, #tpu.memory_space<hbm>> -> memref<1x1x1x38x128xi32, #tpu.memory_space<hbm>>
      %dma_wait3A_105 = tpu.memref_squeeze %dma_wait3A_104 : memref<1x1x1x38x128xi32, #tpu.memory_space<hbm>> -> memref<38x128xi32, #tpu.memory_space<hbm>>
      %dma_wait3A_106 = arith.constant 0 : i32
      %dma_wait3A_107 = arith.constant 0 : i32
      %dma_wait3A_108 = tpu.memref_slice %arg4[%arg0, %arg1, %run_scoped3A_4, %dma_wait3A_106, %dma_wait3A_107] : memref<2x16x2x38x128xi32, #tpu.memory_space<hbm>> -> memref<1x1x1x38x128xi32, #tpu.memory_space<hbm>>
      %dma_wait3A_109 = tpu.memref_squeeze %dma_wait3A_108 : memref<1x1x1x38x128xi32, #tpu.memory_space<hbm>> -> memref<38x128xi32, #tpu.memory_space<hbm>>
      tpu.wait_dma2 semaphore(%run_scoped3A_95 : memref<!tpu.dma_semaphore, #tpu.memory_space<semaphore_mem>>) src(%dma_wait3A_109 : memref<38x128xi32, #tpu.memory_space<hbm>>) dst(%arg8 : memref<38x128xi32, #tpu.memory_space<vmem>>)
      tpu.yield
    }) : () -> ()
    %scan3A = arith.constant 0 : i32
    %scan3A_5 = arith.constant 19 : i32
    %scan3A_6 = arith.addi %scan3A, %scan3A_5 : i32
    %scan3A_7 = arith.constant 1 : i32
    scf.for %scan3A_95 = %scan3A to %scan3A_6 step %scan3A_7  : i32 {
      %mul3A_96 = arith.constant 2 : i32
      %mul3A_97 = arith.muli %mul3A_96, %scan3A_95 : i32
      %add3A = arith.constant 1 : i32
      %add3A_98 = arith.addi %mul3A_97, %add3A : i32
      %dma_start3A = arith.constant 0 : i32
      %dma_start3A_99 = tpu.memref_slice %arg7[%mul3A_97, %dma_start3A] : memref<38x128xi32, #tpu.memory_space<vmem>> -> memref<1x128xi32, #tpu.memory_space<vmem>>
      %dma_start3A_100 = tpu.memref_squeeze %dma_start3A_99 : memref<1x128xi32, #tpu.memory_space<vmem>> -> memref<128xi32, #tpu.memory_space<vmem>>
      %dma_start3A_101 = arith.constant 0 : i32
      %dma_start3A_102 = arith.constant 0 : i32
      %dma_start3A_103 = tpu.memref_slice %arg2[%dma_start3A_101, %dma_start3A_102] : memref<400000x128xf32, #tpu.memory_space<hbm>> -> memref<400000x128xf32, #tpu.memory_space<hbm>>
      tpu.enqueue_indirect_dma source(%dma_start3A_103 : memref<400000x128xf32, #tpu.memory_space<hbm>>) target(%arg9 : memref<128x128xf32, #tpu.memory_space<vmem>>) offsets(%dma_start3A_100 : memref<128xi32, #tpu.memory_space<vmem>>) semaphore(%arg12 : memref<!tpu.dma_semaphore, #tpu.memory_space<semaphore_mem>>)
      %dma_start3A_104 = arith.constant 0 : i32
      %dma_start3A_105 = tpu.memref_slice %arg7[%add3A_98, %dma_start3A_104] : memref<38x128xi32, #tpu.memory_space<vmem>> -> memref<1x128xi32, #tpu.memory_space<vmem>>
      %dma_start3A_106 = tpu.memref_squeeze %dma_start3A_105 : memref<1x128xi32, #tpu.memory_space<vmem>> -> memref<128xi32, #tpu.memory_space<vmem>>
      %dma_start3A_107 = arith.constant 0 : i32
      %dma_start3A_108 = arith.constant 0 : i32
      %dma_start3A_109 = tpu.memref_slice %arg2[%dma_start3A_107, %dma_start3A_108] : memref<400000x128xf32, #tpu.memory_space<hbm>> -> memref<400000x128xf32, #tpu.memory_space<hbm>>
      tpu.enqueue_indirect_dma source(%dma_start3A_109 : memref<400000x128xf32, #tpu.memory_space<hbm>>) target(%arg10 : memref<128x128xf32, #tpu.memory_space<vmem>>) offsets(%dma_start3A_106 : memref<128xi32, #tpu.memory_space<vmem>>) semaphore(%arg13 : memref<!tpu.dma_semaphore, #tpu.memory_space<semaphore_mem>>)
      %dma_wait3A = arith.constant 0 : i32
      %dma_wait3A_110 = tpu.memref_slice %arg7[%mul3A_97, %dma_wait3A] : memref<38x128xi32, #tpu.memory_space<vmem>> -> memref<1x128xi32, #tpu.memory_space<vmem>>
      %dma_wait3A_111 = tpu.memref_squeeze %dma_wait3A_110 : memref<1x128xi32, #tpu.memory_space<vmem>> -> memref<128xi32, #tpu.memory_space<vmem>>
      %dma_wait3A_112 = arith.constant 0 : i32
      %dma_wait3A_113 = arith.constant 0 : i32
      %dma_wait3A_114 = tpu.memref_slice %arg2[%dma_wait3A_112, %dma_wait3A_113] : memref<400000x128xf32, #tpu.memory_space<hbm>> -> memref<400000x128xf32, #tpu.memory_space<hbm>>
      tpu.wait_indirect_dma semaphore(%arg12 : memref<!tpu.dma_semaphore, #tpu.memory_space<semaphore_mem>>) src(%dma_wait3A_114 : memref<400000x128xf32, #tpu.memory_space<hbm>>) dst(%arg9 : memref<128x128xf32, #tpu.memory_space<vmem>>)
      "tpu.region"() ({
        %run_scoped3A_121 = tpu.sem_alloc : memref<!tpu.dma_semaphore, #tpu.memory_space<semaphore_mem>>
        %dma_start3A_122 = arith.constant 0 : i32
        %dma_start3A_123 = tpu.memref_slice %arg8[%mul3A_97, %dma_start3A_122] : memref<38x128xi32, #tpu.memory_space<vmem>> -> memref<1x128xi32, #tpu.memory_space<vmem>>
        %dma_start3A_124 = tpu.memref_squeeze %dma_start3A_123 : memref<1x128xi32, #tpu.memory_space<vmem>> -> memref<128xi32, #tpu.memory_space<vmem>>
        %dma_start3A_125 = arith.constant 0 : i32
        %dma_start3A_126 = arith.constant 0 : i32
        %dma_start3A_127 = tpu.memref_slice %arg11[%dma_start3A_125, %dma_start3A_126] : memref<10256x128xf32, #tpu.memory_space<vmem_shared>> -> memref<10256x128xf32, #tpu.memory_space<vmem_shared>>
        tpu.enqueue_indirect_dma source(%arg9 : memref<128x128xf32, #tpu.memory_space<vmem>>) target(%dma_start3A_127 : memref<10256x128xf32, #tpu.memory_space<vmem_shared>>) offsets(%dma_start3A_124 : memref<128xi32, #tpu.memory_space<vmem>>) semaphore(%run_scoped3A_121 : memref<!tpu.dma_semaphore, #tpu.memory_space<semaphore_mem>>) {add = true}
        %dma_wait3A_128 = arith.constant 0 : i32
        %dma_wait3A_129 = tpu.memref_slice %arg8[%mul3A_97, %dma_wait3A_128] : memref<38x128xi32, #tpu.memory_space<vmem>> -> memref<1x128xi32, #tpu.memory_space<vmem>>
        %dma_wait3A_130 = tpu.memref_squeeze %dma_wait3A_129 : memref<1x128xi32, #tpu.memory_space<vmem>> -> memref<128xi32, #tpu.memory_space<vmem>>
        %dma_wait3A_131 = arith.constant 0 : i32
        %dma_wait3A_132 = arith.constant 0 : i32
        %dma_wait3A_133 = tpu.memref_slice %arg11[%dma_wait3A_131, %dma_wait3A_132] : memref<10256x128xf32, #tpu.memory_space<vmem_shared>> -> memref<10256x128xf32, #tpu.memory_space<vmem_shared>>
        tpu.wait_indirect_dma semaphore(%run_scoped3A_121 : memref<!tpu.dma_semaphore, #tpu.memory_space<semaphore_mem>>) src(%arg9 : memref<128x128xf32, #tpu.memory_space<vmem>>) dst(%dma_wait3A_133 : memref<10256x128xf32, #tpu.memory_space<vmem_shared>>)
        tpu.yield
      }) : () -> ()
      %dma_wait3A_115 = arith.constant 0 : i32
      %dma_wait3A_116 = tpu.memref_slice %arg7[%add3A_98, %dma_wait3A_115] : memref<38x128xi32, #tpu.memory_space<vmem>> -> memref<1x128xi32, #tpu.memory_space<vmem>>
      %dma_wait3A_117 = tpu.memref_squeeze %dma_wait3A_116 : memref<1x128xi32, #tpu.memory_space<vmem>> -> memref<128xi32, #tpu.memory_space<vmem>>
      %dma_wait3A_118 = arith.constant 0 : i32
      %dma_wait3A_119 = arith.constant 0 : i32
      %dma_wait3A_120 = tpu.memref_slice %arg2[%dma_wait3A_118, %dma_wait3A_119] : memref<400000x128xf32, #tpu.memory_space<hbm>> -> memref<400000x128xf32, #tpu.memory_space<hbm>>
      tpu.wait_indirect_dma semaphore(%arg13 : memref<!tpu.dma_semaphore, #tpu.memory_space<semaphore_mem>>) src(%dma_wait3A_120 : memref<400000x128xf32, #tpu.memory_space<hbm>>) dst(%arg10 : memref<128x128xf32, #tpu.memory_space<vmem>>)
      "tpu.region"() ({
        %run_scoped3A_121 = tpu.sem_alloc : memref<!tpu.dma_semaphore, #tpu.memory_space<semaphore_mem>>
        %dma_start3A_122 = arith.constant 0 : i32
        %dma_start3A_123 = tpu.memref_slice %arg8[%add3A_98, %dma_start3A_122] : memref<38x128xi32, #tpu.memory_space<vmem>> -> memref<1x128xi32, #tpu.memory_space<vmem>>
        %dma_start3A_124 = tpu.memref_squeeze %dma_start3A_123 : memref<1x128xi32, #tpu.memory_space<vmem>> -> memref<128xi32, #tpu.memory_space<vmem>>
        %dma_start3A_125 = arith.constant 0 : i32
        %dma_start3A_126 = arith.constant 0 : i32
        %dma_start3A_127 = tpu.memref_slice %arg11[%dma_start3A_125, %dma_start3A_126] : memref<10256x128xf32, #tpu.memory_space<vmem_shared>> -> memref<10256x128xf32, #tpu.memory_space<vmem_shared>>
        tpu.enqueue_indirect_dma source(%arg10 : memref<128x128xf32, #tpu.memory_space<vmem>>) target(%dma_start3A_127 : memref<10256x128xf32, #tpu.memory_space<vmem_shared>>) offsets(%dma_start3A_124 : memref<128xi32, #tpu.memory_space<vmem>>) semaphore(%run_scoped3A_121 : memref<!tpu.dma_semaphore, #tpu.memory_space<semaphore_mem>>) {add = true}
        %dma_wait3A_128 = arith.constant 0 : i32
        %dma_wait3A_129 = tpu.memref_slice %arg8[%add3A_98, %dma_wait3A_128] : memref<38x128xi32, #tpu.memory_space<vmem>> -> memref<1x128xi32, #tpu.memory_space<vmem>>
        %dma_wait3A_130 = tpu.memref_squeeze %dma_wait3A_129 : memref<1x128xi32, #tpu.memory_space<vmem>> -> memref<128xi32, #tpu.memory_space<vmem>>
        %dma_wait3A_131 = arith.constant 0 : i32
        %dma_wait3A_132 = arith.constant 0 : i32
        %dma_wait3A_133 = tpu.memref_slice %arg11[%dma_wait3A_131, %dma_wait3A_132] : memref<10256x128xf32, #tpu.memory_space<vmem_shared>> -> memref<10256x128xf32, #tpu.memory_space<vmem_shared>>
        tpu.wait_indirect_dma semaphore(%run_scoped3A_121 : memref<!tpu.dma_semaphore, #tpu.memory_space<semaphore_mem>>) src(%arg10 : memref<128x128xf32, #tpu.memory_space<vmem>>) dst(%dma_wait3A_133 : memref<10256x128xf32, #tpu.memory_space<vmem_shared>>)
        tpu.yield
      }) : () -> ()
    }
    %scan3A_8 = arith.constant 19 : i32
    %run_scoped3A_9 = arith.constant 0 : i32
    %run_scoped3A_10 = arith.constant 1 : i32
    "tpu.region"() ({
      %run_scoped3A_95 = tpu.sem_alloc : memref<!tpu.dma_semaphore, #tpu.memory_space<semaphore_mem>>
      %dma_start3A = arith.constant 0 : i32
      %dma_start3A_96 = arith.constant 0 : i32
      %dma_start3A_97 = tpu.memref_slice %arg3[%run_scoped3A_9, %arg0, %arg1, %run_scoped3A_10, %dma_start3A, %dma_start3A_96] : memref<4x2x16x2x38x128xi32, #tpu.memory_space<hbm>> -> memref<1x1x1x1x38x128xi32, #tpu.memory_space<hbm>>
      %dma_start3A_98 = tpu.memref_squeeze %dma_start3A_97 : memref<1x1x1x1x38x128xi32, #tpu.memory_space<hbm>> -> memref<38x128xi32, #tpu.memory_space<hbm>>
      %dma_start3A_99 = arith.constant 0 : i32
      %dma_start3A_100 = arith.constant 0 : i32
      %dma_start3A_101 = tpu.memref_slice %arg3[%run_scoped3A_9, %arg0, %arg1, %run_scoped3A_10, %dma_start3A_99, %dma_start3A_100] : memref<4x2x16x2x38x128xi32, #tpu.memory_space<hbm>> -> memref<1x1x1x1x38x128xi32, #tpu.memory_space<hbm>>
      %dma_start3A_102 = tpu.memref_squeeze %dma_start3A_101 : memref<1x1x1x1x38x128xi32, #tpu.memory_space<hbm>> -> memref<38x128xi32, #tpu.memory_space<hbm>>
      tpu.enqueue_dma source(%dma_start3A_102 : memref<38x128xi32, #tpu.memory_space<hbm>>) target(%arg7 : memref<38x128xi32, #tpu.memory_space<vmem>>) target_semaphore(%run_scoped3A_95 : memref<!tpu.dma_semaphore, #tpu.memory_space<semaphore_mem>>)
      %dma_wait3A = arith.constant 0 : i32
      %dma_wait3A_103 = arith.constant 0 : i32
      %dma_wait3A_104 = tpu.memref_slice %arg3[%run_scoped3A_9, %arg0, %arg1, %run_scoped3A_10, %dma_wait3A, %dma_wait3A_103] : memref<4x2x16x2x38x128xi32, #tpu.memory_space<hbm>> -> memref<1x1x1x1x38x128xi32, #tpu.memory_space<hbm>>
      %dma_wait3A_105 = tpu.memref_squeeze %dma_wait3A_104 : memref<1x1x1x1x38x128xi32, #tpu.memory_space<hbm>> -> memref<38x128xi32, #tpu.memory_space<hbm>>
      %dma_wait3A_106 = arith.constant 0 : i32
      %dma_wait3A_107 = arith.constant 0 : i32
      %dma_wait3A_108 = tpu.memref_slice %arg3[%run_scoped3A_9, %arg0, %arg1, %run_scoped3A_10, %dma_wait3A_106, %dma_wait3A_107] : memref<4x2x16x2x38x128xi32, #tpu.memory_space<hbm>> -> memref<1x1x1x1x38x128xi32, #tpu.memory_space<hbm>>
      %dma_wait3A_109 = tpu.memref_squeeze %dma_wait3A_108 : memref<1x1x1x1x38x128xi32, #tpu.memory_space<hbm>> -> memref<38x128xi32, #tpu.memory_space<hbm>>
      tpu.wait_dma2 semaphore(%run_scoped3A_95 : memref<!tpu.dma_semaphore, #tpu.memory_space<semaphore_mem>>) src(%dma_wait3A_109 : memref<38x128xi32, #tpu.memory_space<hbm>>) dst(%arg7 : memref<38x128xi32, #tpu.memory_space<vmem>>)
      tpu.yield
    }) : () -> ()
    %run_scoped3A_11 = arith.constant 1 : i32
    "tpu.region"() ({
      %run_scoped3A_95 = tpu.sem_alloc : memref<!tpu.dma_semaphore, #tpu.memory_space<semaphore_mem>>
      %dma_start3A = arith.constant 0 : i32
      %dma_start3A_96 = arith.constant 0 : i32
      %dma_start3A_97 = tpu.memref_slice %arg4[%arg0, %arg1, %run_scoped3A_11, %dma_start3A, %dma_start3A_96] : memref<2x16x2x38x128xi32, #tpu.memory_space<hbm>> -> memref<1x1x1x38x128xi32, #tpu.memory_space<hbm>>
      %dma_start3A_98 = tpu.memref_squeeze %dma_start3A_97 : memref<1x1x1x38x128xi32, #tpu.memory_space<hbm>> -> memref<38x128xi32, #tpu.memory_space<hbm>>
      %dma_start3A_99 = arith.constant 0 : i32
      %dma_start3A_100 = arith.constant 0 : i32
      %dma_start3A_101 = tpu.memref_slice %arg4[%arg0, %arg1, %run_scoped3A_11, %dma_start3A_99, %dma_start3A_100] : memref<2x16x2x38x128xi32, #tpu.memory_space<hbm>> -> memref<1x1x1x38x128xi32, #tpu.memory_space<hbm>>
      %dma_start3A_102 = tpu.memref_squeeze %dma_start3A_101 : memref<1x1x1x38x128xi32, #tpu.memory_space<hbm>> -> memref<38x128xi32, #tpu.memory_space<hbm>>
      tpu.enqueue_dma source(%dma_start3A_102 : memref<38x128xi32, #tpu.memory_space<hbm>>) target(%arg8 : memref<38x128xi32, #tpu.memory_space<vmem>>) target_semaphore(%run_scoped3A_95 : memref<!tpu.dma_semaphore, #tpu.memory_space<semaphore_mem>>)
      %dma_wait3A = arith.constant 0 : i32
      %dma_wait3A_103 = arith.constant 0 : i32
      %dma_wait3A_104 = tpu.memref_slice %arg4[%arg0, %arg1, %run_scoped3A_11, %dma_wait3A, %dma_wait3A_103] : memref<2x16x2x38x128xi32, #tpu.memory_space<hbm>> -> memref<1x1x1x38x128xi32, #tpu.memory_space<hbm>>
      %dma_wait3A_105 = tpu.memref_squeeze %dma_wait3A_104 : memref<1x1x1x38x128xi32, #tpu.memory_space<hbm>> -> memref<38x128xi32, #tpu.memory_space<hbm>>
      %dma_wait3A_106 = arith.constant 0 : i32
      %dma_wait3A_107 = arith.constant 0 : i32
      %dma_wait3A_108 = tpu.memref_slice %arg4[%arg0, %arg1, %run_scoped3A_11, %dma_wait3A_106, %dma_wait3A_107] : memref<2x16x2x38x128xi32, #tpu.memory_space<hbm>> -> memref<1x1x1x38x128xi32, #tpu.memory_space<hbm>>
      %dma_wait3A_109 = tpu.memref_squeeze %dma_wait3A_108 : memref<1x1x1x38x128xi32, #tpu.memory_space<hbm>> -> memref<38x128xi32, #tpu.memory_space<hbm>>
      tpu.wait_dma2 semaphore(%run_scoped3A_95 : memref<!tpu.dma_semaphore, #tpu.memory_space<semaphore_mem>>) src(%dma_wait3A_109 : memref<38x128xi32, #tpu.memory_space<hbm>>) dst(%arg8 : memref<38x128xi32, #tpu.memory_space<vmem>>)
      tpu.yield
    }) : () -> ()
    %scan3A_12 = arith.constant 0 : i32
    %scan3A_13 = arith.constant 19 : i32
    %scan3A_14 = arith.addi %scan3A_12, %scan3A_13 : i32
    %scan3A_15 = arith.constant 1 : i32
    scf.for %scan3A_95 = %scan3A_12 to %scan3A_14 step %scan3A_15  : i32 {
      %mul3A_96 = arith.constant 2 : i32
      %mul3A_97 = arith.muli %mul3A_96, %scan3A_95 : i32
      %add3A = arith.constant 1 : i32
      %add3A_98 = arith.addi %mul3A_97, %add3A : i32
      %dma_start3A = arith.constant 0 : i32
      %dma_start3A_99 = tpu.memref_slice %arg7[%mul3A_97, %dma_start3A] : memref<38x128xi32, #tpu.memory_space<vmem>> -> memref<1x128xi32, #tpu.memory_space<vmem>>
      %dma_start3A_100 = tpu.memref_squeeze %dma_start3A_99 : memref<1x128xi32, #tpu.memory_space<vmem>> -> memref<128xi32, #tpu.memory_space<vmem>>
      %dma_start3A_101 = arith.constant 0 : i32
      %dma_start3A_102 = arith.constant 0 : i32
      %dma_start3A_103 = tpu.memref_slice %arg2[%dma_start3A_101, %dma_start3A_102] : memref<400000x128xf32, #tpu.memory_space<hbm>> -> memref<400000x128xf32, #tpu.memory_space<hbm>>
      tpu.enqueue_indirect_dma source(%dma_start3A_103 : memref<400000x128xf32, #tpu.memory_space<hbm>>) target(%arg9 : memref<128x128xf32, #tpu.memory_space<vmem>>) offsets(%dma_start3A_100 : memref<128xi32, #tpu.memory_space<vmem>>) semaphore(%arg12 : memref<!tpu.dma_semaphore, #tpu.memory_space<semaphore_mem>>)
      %dma_start3A_104 = arith.constant 0 : i32
      %dma_start3A_105 = tpu.memref_slice %arg7[%add3A_98, %dma_start3A_104] : memref<38x128xi32, #tpu.memory_space<vmem>> -> memref<1x128xi32, #tpu.memory_space<vmem>>
      %dma_start3A_106 = tpu.memref_squeeze %dma_start3A_105 : memref<1x128xi32, #tpu.memory_space<vmem>> -> memref<128xi32, #tpu.memory_space<vmem>>
      %dma_start3A_107 = arith.constant 0 : i32
      %dma_start3A_108 = arith.constant 0 : i32
      %dma_start3A_109 = tpu.memref_slice %arg2[%dma_start3A_107, %dma_start3A_108] : memref<400000x128xf32, #tpu.memory_space<hbm>> -> memref<400000x128xf32, #tpu.memory_space<hbm>>
      tpu.enqueue_indirect_dma source(%dma_start3A_109 : memref<400000x128xf32, #tpu.memory_space<hbm>>) target(%arg10 : memref<128x128xf32, #tpu.memory_space<vmem>>) offsets(%dma_start3A_106 : memref<128xi32, #tpu.memory_space<vmem>>) semaphore(%arg13 : memref<!tpu.dma_semaphore, #tpu.memory_space<semaphore_mem>>)
      %dma_wait3A = arith.constant 0 : i32
      %dma_wait3A_110 = tpu.memref_slice %arg7[%mul3A_97, %dma_wait3A] : memref<38x128xi32, #tpu.memory_space<vmem>> -> memref<1x128xi32, #tpu.memory_space<vmem>>
      %dma_wait3A_111 = tpu.memref_squeeze %dma_wait3A_110 : memref<1x128xi32, #tpu.memory_space<vmem>> -> memref<128xi32, #tpu.memory_space<vmem>>
      %dma_wait3A_112 = arith.constant 0 : i32
      %dma_wait3A_113 = arith.constant 0 : i32
      %dma_wait3A_114 = tpu.memref_slice %arg2[%dma_wait3A_112, %dma_wait3A_113] : memref<400000x128xf32, #tpu.memory_space<hbm>> -> memref<400000x128xf32, #tpu.memory_space<hbm>>
      tpu.wait_indirect_dma semaphore(%arg12 : memref<!tpu.dma_semaphore, #tpu.memory_space<semaphore_mem>>) src(%dma_wait3A_114 : memref<400000x128xf32, #tpu.memory_space<hbm>>) dst(%arg9 : memref<128x128xf32, #tpu.memory_space<vmem>>)
      "tpu.region"() ({
        %run_scoped3A_121 = tpu.sem_alloc : memref<!tpu.dma_semaphore, #tpu.memory_space<semaphore_mem>>
        %dma_start3A_122 = arith.constant 0 : i32
        %dma_start3A_123 = tpu.memref_slice %arg8[%mul3A_97, %dma_start3A_122] : memref<38x128xi32, #tpu.memory_space<vmem>> -> memref<1x128xi32, #tpu.memory_space<vmem>>
        %dma_start3A_124 = tpu.memref_squeeze %dma_start3A_123 : memref<1x128xi32, #tpu.memory_space<vmem>> -> memref<128xi32, #tpu.memory_space<vmem>>
        %dma_start3A_125 = arith.constant 0 : i32
        %dma_start3A_126 = arith.constant 0 : i32
        %dma_start3A_127 = tpu.memref_slice %arg11[%dma_start3A_125, %dma_start3A_126] : memref<10256x128xf32, #tpu.memory_space<vmem_shared>> -> memref<10256x128xf32, #tpu.memory_space<vmem_shared>>
        tpu.enqueue_indirect_dma source(%arg9 : memref<128x128xf32, #tpu.memory_space<vmem>>) target(%dma_start3A_127 : memref<10256x128xf32, #tpu.memory_space<vmem_shared>>) offsets(%dma_start3A_124 : memref<128xi32, #tpu.memory_space<vmem>>) semaphore(%run_scoped3A_121 : memref<!tpu.dma_semaphore, #tpu.memory_space<semaphore_mem>>) {add = true}
        %dma_wait3A_128 = arith.constant 0 : i32
        %dma_wait3A_129 = tpu.memref_slice %arg8[%mul3A_97, %dma_wait3A_128] : memref<38x128xi32, #tpu.memory_space<vmem>> -> memref<1x128xi32, #tpu.memory_space<vmem>>
        %dma_wait3A_130 = tpu.memref_squeeze %dma_wait3A_129 : memref<1x128xi32, #tpu.memory_space<vmem>> -> memref<128xi32, #tpu.memory_space<vmem>>
        %dma_wait3A_131 = arith.constant 0 : i32
        %dma_wait3A_132 = arith.constant 0 : i32
        %dma_wait3A_133 = tpu.memref_slice %arg11[%dma_wait3A_131, %dma_wait3A_132] : memref<10256x128xf32, #tpu.memory_space<vmem_shared>> -> memref<10256x128xf32, #tpu.memory_space<vmem_shared>>
        tpu.wait_indirect_dma semaphore(%run_scoped3A_121 : memref<!tpu.dma_semaphore, #tpu.memory_space<semaphore_mem>>) src(%arg9 : memref<128x128xf32, #tpu.memory_space<vmem>>) dst(%dma_wait3A_133 : memref<10256x128xf32, #tpu.memory_space<vmem_shared>>)
        tpu.yield
      }) : () -> ()
      %dma_wait3A_115 = arith.constant 0 : i32
      %dma_wait3A_116 = tpu.memref_slice %arg7[%add3A_98, %dma_wait3A_115] : memref<38x128xi32, #tpu.memory_space<vmem>> -> memref<1x128xi32, #tpu.memory_space<vmem>>
      %dma_wait3A_117 = tpu.memref_squeeze %dma_wait3A_116 : memref<1x128xi32, #tpu.memory_space<vmem>> -> memref<128xi32, #tpu.memory_space<vmem>>
      %dma_wait3A_118 = arith.constant 0 : i32
      %dma_wait3A_119 = arith.constant 0 : i32
      %dma_wait3A_120 = tpu.memref_slice %arg2[%dma_wait3A_118, %dma_wait3A_119] : memref<400000x128xf32, #tpu.memory_space<hbm>> -> memref<400000x128xf32, #tpu.memory_space<hbm>>
      tpu.wait_indirect_dma semaphore(%arg13 : memref<!tpu.dma_semaphore, #tpu.memory_space<semaphore_mem>>) src(%dma_wait3A_120 : memref<400000x128xf32, #tpu.memory_space<hbm>>) dst(%arg10 : memref<128x128xf32, #tpu.memory_space<vmem>>)
      "tpu.region"() ({
        %run_scoped3A_121 = tpu.sem_alloc : memref<!tpu.dma_semaphore, #tpu.memory_space<semaphore_mem>>
        %dma_start3A_122 = arith.constant 0 : i32
        %dma_start3A_123 = tpu.memref_slice %arg8[%add3A_98, %dma_start3A_122] : memref<38x128xi32, #tpu.memory_space<vmem>> -> memref<1x128xi32, #tpu.memory_space<vmem>>
        %dma_start3A_124 = tpu.memref_squeeze %dma_start3A_123 : memref<1x128xi32, #tpu.memory_space<vmem>> -> memref<128xi32, #tpu.memory_space<vmem>>
        %dma_start3A_125 = arith.constant 0 : i32
        %dma_start3A_126 = arith.constant 0 : i32
        %dma_start3A_127 = tpu.memref_slice %arg11[%dma_start3A_125, %dma_start3A_126] : memref<10256x128xf32, #tpu.memory_space<vmem_shared>> -> memref<10256x128xf32, #tpu.memory_space<vmem_shared>>
        tpu.enqueue_indirect_dma source(%arg10 : memref<128x128xf32, #tpu.memory_space<vmem>>) target(%dma_start3A_127 : memref<10256x128xf32, #tpu.memory_space<vmem_shared>>) offsets(%dma_start3A_124 : memref<128xi32, #tpu.memory_space<vmem>>) semaphore(%run_scoped3A_121 : memref<!tpu.dma_semaphore, #tpu.memory_space<semaphore_mem>>) {add = true}
        %dma_wait3A_128 = arith.constant 0 : i32
        %dma_wait3A_129 = tpu.memref_slice %arg8[%add3A_98, %dma_wait3A_128] : memref<38x128xi32, #tpu.memory_space<vmem>> -> memref<1x128xi32, #tpu.memory_space<vmem>>
        %dma_wait3A_130 = tpu.memref_squeeze %dma_wait3A_129 : memref<1x128xi32, #tpu.memory_space<vmem>> -> memref<128xi32, #tpu.memory_space<vmem>>
        %dma_wait3A_131 = arith.constant 0 : i32
        %dma_wait3A_132 = arith.constant 0 : i32
        %dma_wait3A_133 = tpu.memref_slice %arg11[%dma_wait3A_131, %dma_wait3A_132] : memref<10256x128xf32, #tpu.memory_space<vmem_shared>> -> memref<10256x128xf32, #tpu.memory_space<vmem_shared>>
        tpu.wait_indirect_dma semaphore(%run_scoped3A_121 : memref<!tpu.dma_semaphore, #tpu.memory_space<semaphore_mem>>) src(%arg10 : memref<128x128xf32, #tpu.memory_space<vmem>>) dst(%dma_wait3A_133 : memref<10256x128xf32, #tpu.memory_space<vmem_shared>>)
        tpu.yield
      }) : () -> ()
    }
    %scan3A_16 = arith.constant 19 : i32
    %barrier3A_17 = arith.constant 0 : index
    tpu.barrier barrier_id(%barrier3A_17)
    %run_scoped3A_18 = arith.constant 0 : i32
    "tpu.region"() ({
      %run_scoped3A_95 = tpu.sem_alloc : memref<!tpu.dma_semaphore, #tpu.memory_space<semaphore_mem>>
      %dma_start3A = arith.constant 0 : i32
      %dma_start3A_96 = tpu.memref_slice %arg6[%arg0, %run_scoped3A_18, %mul3A_0, %dma_start3A] : memref<2x4x10240x128xf32, #tpu.memory_space<hbm>> -> memref<1x1x640x128xf32, #tpu.memory_space<hbm>>
      %dma_start3A_97 = tpu.memref_squeeze %dma_start3A_96 : memref<1x1x640x128xf32, #tpu.memory_space<hbm>> -> memref<640x128xf32, #tpu.memory_space<hbm>>
      %dma_start3A_98 = arith.constant 0 : i32
      %dma_start3A_99 = tpu.memref_slice %arg11[%mul3A_0, %dma_start3A_98] : memref<10256x128xf32, #tpu.memory_space<vmem_shared>> -> memref<640x128xf32, #tpu.memory_space<vmem_shared>>
      tpu.enqueue_dma source(%dma_start3A_99 : memref<640x128xf32, #tpu.memory_space<vmem_shared>>) target(%dma_start3A_97 : memref<640x128xf32, #tpu.memory_space<hbm>>) target_semaphore(%run_scoped3A_95 : memref<!tpu.dma_semaphore, #tpu.memory_space<semaphore_mem>>)
      %dma_wait3A = arith.constant 0 : i32
      %dma_wait3A_100 = tpu.memref_slice %arg6[%arg0, %run_scoped3A_18, %mul3A_0, %dma_wait3A] : memref<2x4x10240x128xf32, #tpu.memory_space<hbm>> -> memref<1x1x640x128xf32, #tpu.memory_space<hbm>>
      %dma_wait3A_101 = tpu.memref_squeeze %dma_wait3A_100 : memref<1x1x640x128xf32, #tpu.memory_space<hbm>> -> memref<640x128xf32, #tpu.memory_space<hbm>>
      %dma_wait3A_102 = arith.constant 0 : i32
      %dma_wait3A_103 = tpu.memref_slice %arg11[%mul3A_0, %dma_wait3A_102] : memref<10256x128xf32, #tpu.memory_space<vmem_shared>> -> memref<640x128xf32, #tpu.memory_space<vmem_shared>>
      tpu.wait_dma2 semaphore(%run_scoped3A_95 : memref<!tpu.dma_semaphore, #tpu.memory_space<semaphore_mem>>) src(%dma_wait3A_103 : memref<640x128xf32, #tpu.memory_space<vmem_shared>>) dst(%dma_wait3A_101 : memref<640x128xf32, #tpu.memory_space<hbm>>)
      tpu.yield
    }) : () -> ()
    %barrier3A_19 = arith.constant 0 : index
    tpu.barrier barrier_id(%barrier3A_19)
    "tpu.region"() ({
      %run_scoped3A_95 = tpu.sem_alloc : memref<!tpu.dma_semaphore, #tpu.memory_space<semaphore_mem>>
      %dma_start3A = arith.constant 0 : i32
      %dma_start3A_96 = tpu.memref_slice %arg11[%mul3A_0, %dma_start3A] : memref<10256x128xf32, #tpu.memory_space<vmem_shared>> -> memref<640x128xf32, #tpu.memory_space<vmem_shared>>
      tpu.enqueue_dma source(%arg5 : memref<640x128xf32, #tpu.memory_space<hbm>>) target(%dma_start3A_96 : memref<640x128xf32, #tpu.memory_space<vmem_shared>>) target_semaphore(%run_scoped3A_95 : memref<!tpu.dma_semaphore, #tpu.memory_space<semaphore_mem>>)
      %dma_wait3A = arith.constant 0 : i32
      %dma_wait3A_97 = tpu.memref_slice %arg11[%mul3A_0, %dma_wait3A] : memref<10256x128xf32, #tpu.memory_space<vmem_shared>> -> memref<640x128xf32, #tpu.memory_space<vmem_shared>>
      tpu.wait_dma2 semaphore(%run_scoped3A_95 : memref<!tpu.dma_semaphore, #tpu.memory_space<semaphore_mem>>) src(%arg5 : memref<640x128xf32, #tpu.memory_space<hbm>>) dst(%dma_wait3A_97 : memref<640x128xf32, #tpu.memory_space<vmem_shared>>)
      tpu.yield
    }) : () -> ()
    %eq3A_20 = arith.constant 15 : i32
    %eq3A_21 = arith.cmpi eq, %arg1, %eq3A_20 : i32
    %convert_element_type3A_22 = arith.extui %eq3A_21 : i1 to i32
    %cond3A_23 = arith.constant 0 : i32
    %cond3A_24 = arith.cmpi ne, %convert_element_type3A_22, %cond3A_23 : i32
    scf.if %cond3A_24 {
      "tpu.region"() ({
        %run_scoped3A_95 = tpu.sem_alloc : memref<!tpu.dma_semaphore, #tpu.memory_space<semaphore_mem>>
        %dma_start3A = arith.constant 10240 : i32
        %dma_start3A_96 = arith.constant 0 : i32
        %dma_start3A_97 = tpu.memref_slice %arg11[%dma_start3A, %dma_start3A_96] : memref<10256x128xf32, #tpu.memory_space<vmem_shared>> -> memref<16x128xf32, #tpu.memory_space<vmem_shared>>
        %dma_start3A_98 = arith.constant 0 : i32
        %dma_start3A_99 = arith.constant 0 : i32
        %dma_start3A_100 = tpu.memref_slice %arg5[%dma_start3A_98, %dma_start3A_99] : memref<640x128xf32, #tpu.memory_space<hbm>> -> memref<16x128xf32, #tpu.memory_space<hbm>>
        tpu.enqueue_dma source(%dma_start3A_100 : memref<16x128xf32, #tpu.memory_space<hbm>>) target(%dma_start3A_97 : memref<16x128xf32, #tpu.memory_space<vmem_shared>>) target_semaphore(%run_scoped3A_95 : memref<!tpu.dma_semaphore, #tpu.memory_space<semaphore_mem>>)
        %dma_wait3A = arith.constant 10240 : i32
        %dma_wait3A_101 = arith.constant 0 : i32
        %dma_wait3A_102 = tpu.memref_slice %arg11[%dma_wait3A, %dma_wait3A_101] : memref<10256x128xf32, #tpu.memory_space<vmem_shared>> -> memref<16x128xf32, #tpu.memory_space<vmem_shared>>
        %dma_wait3A_103 = arith.constant 0 : i32
        %dma_wait3A_104 = arith.constant 0 : i32
        %dma_wait3A_105 = tpu.memref_slice %arg5[%dma_wait3A_103, %dma_wait3A_104] : memref<640x128xf32, #tpu.memory_space<hbm>> -> memref<16x128xf32, #tpu.memory_space<hbm>>
        tpu.wait_dma2 semaphore(%run_scoped3A_95 : memref<!tpu.dma_semaphore, #tpu.memory_space<semaphore_mem>>) src(%dma_wait3A_105 : memref<16x128xf32, #tpu.memory_space<hbm>>) dst(%dma_wait3A_102 : memref<16x128xf32, #tpu.memory_space<vmem_shared>>)
        tpu.yield
      }) : () -> ()
    } else {
    }
    %barrier3A_25 = arith.constant 0 : index
    tpu.barrier barrier_id(%barrier3A_25)
    %run_scoped3A_26 = arith.constant 1 : i32
    %run_scoped3A_27 = arith.constant 0 : i32
    "tpu.region"() ({
      %run_scoped3A_95 = tpu.sem_alloc : memref<!tpu.dma_semaphore, #tpu.memory_space<semaphore_mem>>
      %dma_start3A = arith.constant 0 : i32
      %dma_start3A_96 = arith.constant 0 : i32
      %dma_start3A_97 = tpu.memref_slice %arg3[%run_scoped3A_26, %arg0, %arg1, %run_scoped3A_27, %dma_start3A, %dma_start3A_96] : memref<4x2x16x2x38x128xi32, #tpu.memory_space<hbm>> -> memref<1x1x1x1x38x128xi32, #tpu.memory_space<hbm>>
      %dma_start3A_98 = tpu.memref_squeeze %dma_start3A_97 : memref<1x1x1x1x38x128xi32, #tpu.memory_space<hbm>> -> memref<38x128xi32, #tpu.memory_space<hbm>>
      %dma_start3A_99 = arith.constant 0 : i32
      %dma_start3A_100 = arith.constant 0 : i32
      %dma_start3A_101 = tpu.memref_slice %arg3[%run_scoped3A_26, %arg0, %arg1, %run_scoped3A_27, %dma_start3A_99, %dma_start3A_100] : memref<4x2x16x2x38x128xi32, #tpu.memory_space<hbm>> -> memref<1x1x1x1x38x128xi32, #tpu.memory_space<hbm>>
      %dma_start3A_102 = tpu.memref_squeeze %dma_start3A_101 : memref<1x1x1x1x38x128xi32, #tpu.memory_space<hbm>> -> memref<38x128xi32, #tpu.memory_space<hbm>>
      tpu.enqueue_dma source(%dma_start3A_102 : memref<38x128xi32, #tpu.memory_space<hbm>>) target(%arg7 : memref<38x128xi32, #tpu.memory_space<vmem>>) target_semaphore(%run_scoped3A_95 : memref<!tpu.dma_semaphore, #tpu.memory_space<semaphore_mem>>)
      %dma_wait3A = arith.constant 0 : i32
      %dma_wait3A_103 = arith.constant 0 : i32
      %dma_wait3A_104 = tpu.memref_slice %arg3[%run_scoped3A_26, %arg0, %arg1, %run_scoped3A_27, %dma_wait3A, %dma_wait3A_103] : memref<4x2x16x2x38x128xi32, #tpu.memory_space<hbm>> -> memref<1x1x1x1x38x128xi32, #tpu.memory_space<hbm>>
      %dma_wait3A_105 = tpu.memref_squeeze %dma_wait3A_104 : memref<1x1x1x1x38x128xi32, #tpu.memory_space<hbm>> -> memref<38x128xi32, #tpu.memory_space<hbm>>
      %dma_wait3A_106 = arith.constant 0 : i32
      %dma_wait3A_107 = arith.constant 0 : i32
      %dma_wait3A_108 = tpu.memref_slice %arg3[%run_scoped3A_26, %arg0, %arg1, %run_scoped3A_27, %dma_wait3A_106, %dma_wait3A_107] : memref<4x2x16x2x38x128xi32, #tpu.memory_space<hbm>> -> memref<1x1x1x1x38x128xi32, #tpu.memory_space<hbm>>
      %dma_wait3A_109 = tpu.memref_squeeze %dma_wait3A_108 : memref<1x1x1x1x38x128xi32, #tpu.memory_space<hbm>> -> memref<38x128xi32, #tpu.memory_space<hbm>>
      tpu.wait_dma2 semaphore(%run_scoped3A_95 : memref<!tpu.dma_semaphore, #tpu.memory_space<semaphore_mem>>) src(%dma_wait3A_109 : memref<38x128xi32, #tpu.memory_space<hbm>>) dst(%arg7 : memref<38x128xi32, #tpu.memory_space<vmem>>)
      tpu.yield
    }) : () -> ()
    %run_scoped3A_28 = arith.constant 0 : i32
    "tpu.region"() ({
      %run_scoped3A_95 = tpu.sem_alloc : memref<!tpu.dma_semaphore, #tpu.memory_space<semaphore_mem>>
      %dma_start3A = arith.constant 0 : i32
      %dma_start3A_96 = arith.constant 0 : i32
      %dma_start3A_97 = tpu.memref_slice %arg4[%arg0, %arg1, %run_scoped3A_28, %dma_start3A, %dma_start3A_96] : memref<2x16x2x38x128xi32, #tpu.memory_space<hbm>> -> memref<1x1x1x38x128xi32, #tpu.memory_space<hbm>>
      %dma_start3A_98 = tpu.memref_squeeze %dma_start3A_97 : memref<1x1x1x38x128xi32, #tpu.memory_space<hbm>> -> memref<38x128xi32, #tpu.memory_space<hbm>>
      %dma_start3A_99 = arith.constant 0 : i32
      %dma_start3A_100 = arith.constant 0 : i32
      %dma_start3A_101 = tpu.memref_slice %arg4[%arg0, %arg1, %run_scoped3A_28, %dma_start3A_99, %dma_start3A_100] : memref<2x16x2x38x128xi32, #tpu.memory_space<hbm>> -> memref<1x1x1x38x128xi32, #tpu.memory_space<hbm>>
      %dma_start3A_102 = tpu.memref_squeeze %dma_start3A_101 : memref<1x1x1x38x128xi32, #tpu.memory_space<hbm>> -> memref<38x128xi32, #tpu.memory_space<hbm>>
      tpu.enqueue_dma source(%dma_start3A_102 : memref<38x128xi32, #tpu.memory_space<hbm>>) target(%arg8 : memref<38x128xi32, #tpu.memory_space<vmem>>) target_semaphore(%run_scoped3A_95 : memref<!tpu.dma_semaphore, #tpu.memory_space<semaphore_mem>>)
      %dma_wait3A = arith.constant 0 : i32
      %dma_wait3A_103 = arith.constant 0 : i32
      %dma_wait3A_104 = tpu.memref_slice %arg4[%arg0, %arg1, %run_scoped3A_28, %dma_wait3A, %dma_wait3A_103] : memref<2x16x2x38x128xi32, #tpu.memory_space<hbm>> -> memref<1x1x1x38x128xi32, #tpu.memory_space<hbm>>
      %dma_wait3A_105 = tpu.memref_squeeze %dma_wait3A_104 : memref<1x1x1x38x128xi32, #tpu.memory_space<hbm>> -> memref<38x128xi32, #tpu.memory_space<hbm>>
      %dma_wait3A_106 = arith.constant 0 : i32
      %dma_wait3A_107 = arith.constant 0 : i32
      %dma_wait3A_108 = tpu.memref_slice %arg4[%arg0, %arg1, %run_scoped3A_28, %dma_wait3A_106, %dma_wait3A_107] : memref<2x16x2x38x128xi32, #tpu.memory_space<hbm>> -> memref<1x1x1x38x128xi32, #tpu.memory_space<hbm>>
      %dma_wait3A_109 = tpu.memref_squeeze %dma_wait3A_108 : memref<1x1x1x38x128xi32, #tpu.memory_space<hbm>> -> memref<38x128xi32, #tpu.memory_space<hbm>>
      tpu.wait_dma2 semaphore(%run_scoped3A_95 : memref<!tpu.dma_semaphore, #tpu.memory_space<semaphore_mem>>) src(%dma_wait3A_109 : memref<38x128xi32, #tpu.memory_space<hbm>>) dst(%arg8 : memref<38x128xi32, #tpu.memory_space<vmem>>)
      tpu.yield
    }) : () -> ()
    %scan3A_29 = arith.constant 0 : i32
    %scan3A_30 = arith.constant 19 : i32
    %scan3A_31 = arith.addi %scan3A_29, %scan3A_30 : i32
    %scan3A_32 = arith.constant 1 : i32
    scf.for %scan3A_95 = %scan3A_29 to %scan3A_31 step %scan3A_32  : i32 {
      %mul3A_96 = arith.constant 2 : i32
      %mul3A_97 = arith.muli %mul3A_96, %scan3A_95 : i32
      %add3A = arith.constant 1 : i32
      %add3A_98 = arith.addi %mul3A_97, %add3A : i32
      %dma_start3A = arith.constant 0 : i32
      %dma_start3A_99 = tpu.memref_slice %arg7[%mul3A_97, %dma_start3A] : memref<38x128xi32, #tpu.memory_space<vmem>> -> memref<1x128xi32, #tpu.memory_space<vmem>>
      %dma_start3A_100 = tpu.memref_squeeze %dma_start3A_99 : memref<1x128xi32, #tpu.memory_space<vmem>> -> memref<128xi32, #tpu.memory_space<vmem>>
      %dma_start3A_101 = arith.constant 0 : i32
      %dma_start3A_102 = arith.constant 0 : i32
      %dma_start3A_103 = tpu.memref_slice %arg2[%dma_start3A_101, %dma_start3A_102] : memref<400000x128xf32, #tpu.memory_space<hbm>> -> memref<400000x128xf32, #tpu.memory_space<hbm>>
      tpu.enqueue_indirect_dma source(%dma_start3A_103 : memref<400000x128xf32, #tpu.memory_space<hbm>>) target(%arg9 : memref<128x128xf32, #tpu.memory_space<vmem>>) offsets(%dma_start3A_100 : memref<128xi32, #tpu.memory_space<vmem>>) semaphore(%arg12 : memref<!tpu.dma_semaphore, #tpu.memory_space<semaphore_mem>>)
      %dma_start3A_104 = arith.constant 0 : i32
      %dma_start3A_105 = tpu.memref_slice %arg7[%add3A_98, %dma_start3A_104] : memref<38x128xi32, #tpu.memory_space<vmem>> -> memref<1x128xi32, #tpu.memory_space<vmem>>
      %dma_start3A_106 = tpu.memref_squeeze %dma_start3A_105 : memref<1x128xi32, #tpu.memory_space<vmem>> -> memref<128xi32, #tpu.memory_space<vmem>>
      %dma_start3A_107 = arith.constant 0 : i32
      %dma_start3A_108 = arith.constant 0 : i32
      %dma_start3A_109 = tpu.memref_slice %arg2[%dma_start3A_107, %dma_start3A_108] : memref<400000x128xf32, #tpu.memory_space<hbm>> -> memref<400000x128xf32, #tpu.memory_space<hbm>>
      tpu.enqueue_indirect_dma source(%dma_start3A_109 : memref<400000x128xf32, #tpu.memory_space<hbm>>) target(%arg10 : memref<128x128xf32, #tpu.memory_space<vmem>>) offsets(%dma_start3A_106 : memref<128xi32, #tpu.memory_space<vmem>>) semaphore(%arg13 : memref<!tpu.dma_semaphore, #tpu.memory_space<semaphore_mem>>)
      %dma_wait3A = arith.constant 0 : i32
      %dma_wait3A_110 = tpu.memref_slice %arg7[%mul3A_97, %dma_wait3A] : memref<38x128xi32, #tpu.memory_space<vmem>> -> memref<1x128xi32, #tpu.memory_space<vmem>>
      %dma_wait3A_111 = tpu.memref_squeeze %dma_wait3A_110 : memref<1x128xi32, #tpu.memory_space<vmem>> -> memref<128xi32, #tpu.memory_space<vmem>>
      %dma_wait3A_112 = arith.constant 0 : i32
      %dma_wait3A_113 = arith.constant 0 : i32
      %dma_wait3A_114 = tpu.memref_slice %arg2[%dma_wait3A_112, %dma_wait3A_113] : memref<400000x128xf32, #tpu.memory_space<hbm>> -> memref<400000x128xf32, #tpu.memory_space<hbm>>
      tpu.wait_indirect_dma semaphore(%arg12 : memref<!tpu.dma_semaphore, #tpu.memory_space<semaphore_mem>>) src(%dma_wait3A_114 : memref<400000x128xf32, #tpu.memory_space<hbm>>) dst(%arg9 : memref<128x128xf32, #tpu.memory_space<vmem>>)
      "tpu.region"() ({
        %run_scoped3A_121 = tpu.sem_alloc : memref<!tpu.dma_semaphore, #tpu.memory_space<semaphore_mem>>
        %dma_start3A_122 = arith.constant 0 : i32
        %dma_start3A_123 = tpu.memref_slice %arg8[%mul3A_97, %dma_start3A_122] : memref<38x128xi32, #tpu.memory_space<vmem>> -> memref<1x128xi32, #tpu.memory_space<vmem>>
        %dma_start3A_124 = tpu.memref_squeeze %dma_start3A_123 : memref<1x128xi32, #tpu.memory_space<vmem>> -> memref<128xi32, #tpu.memory_space<vmem>>
        %dma_start3A_125 = arith.constant 0 : i32
        %dma_start3A_126 = arith.constant 0 : i32
        %dma_start3A_127 = tpu.memref_slice %arg11[%dma_start3A_125, %dma_start3A_126] : memref<10256x128xf32, #tpu.memory_space<vmem_shared>> -> memref<10256x128xf32, #tpu.memory_space<vmem_shared>>
        tpu.enqueue_indirect_dma source(%arg9 : memref<128x128xf32, #tpu.memory_space<vmem>>) target(%dma_start3A_127 : memref<10256x128xf32, #tpu.memory_space<vmem_shared>>) offsets(%dma_start3A_124 : memref<128xi32, #tpu.memory_space<vmem>>) semaphore(%run_scoped3A_121 : memref<!tpu.dma_semaphore, #tpu.memory_space<semaphore_mem>>) {add = true}
        %dma_wait3A_128 = arith.constant 0 : i32
        %dma_wait3A_129 = tpu.memref_slice %arg8[%mul3A_97, %dma_wait3A_128] : memref<38x128xi32, #tpu.memory_space<vmem>> -> memref<1x128xi32, #tpu.memory_space<vmem>>
        %dma_wait3A_130 = tpu.memref_squeeze %dma_wait3A_129 : memref<1x128xi32, #tpu.memory_space<vmem>> -> memref<128xi32, #tpu.memory_space<vmem>>
        %dma_wait3A_131 = arith.constant 0 : i32
        %dma_wait3A_132 = arith.constant 0 : i32
        %dma_wait3A_133 = tpu.memref_slice %arg11[%dma_wait3A_131, %dma_wait3A_132] : memref<10256x128xf32, #tpu.memory_space<vmem_shared>> -> memref<10256x128xf32, #tpu.memory_space<vmem_shared>>
        tpu.wait_indirect_dma semaphore(%run_scoped3A_121 : memref<!tpu.dma_semaphore, #tpu.memory_space<semaphore_mem>>) src(%arg9 : memref<128x128xf32, #tpu.memory_space<vmem>>) dst(%dma_wait3A_133 : memref<10256x128xf32, #tpu.memory_space<vmem_shared>>)
        tpu.yield
      }) : () -> ()
      %dma_wait3A_115 = arith.constant 0 : i32
      %dma_wait3A_116 = tpu.memref_slice %arg7[%add3A_98, %dma_wait3A_115] : memref<38x128xi32, #tpu.memory_space<vmem>> -> memref<1x128xi32, #tpu.memory_space<vmem>>
      %dma_wait3A_117 = tpu.memref_squeeze %dma_wait3A_116 : memref<1x128xi32, #tpu.memory_space<vmem>> -> memref<128xi32, #tpu.memory_space<vmem>>
      %dma_wait3A_118 = arith.constant 0 : i32
      %dma_wait3A_119 = arith.constant 0 : i32
      %dma_wait3A_120 = tpu.memref_slice %arg2[%dma_wait3A_118, %dma_wait3A_119] : memref<400000x128xf32, #tpu.memory_space<hbm>> -> memref<400000x128xf32, #tpu.memory_space<hbm>>
      tpu.wait_indirect_dma semaphore(%arg13 : memref<!tpu.dma_semaphore, #tpu.memory_space<semaphore_mem>>) src(%dma_wait3A_120 : memref<400000x128xf32, #tpu.memory_space<hbm>>) dst(%arg10 : memref<128x128xf32, #tpu.memory_space<vmem>>)
      "tpu.region"() ({
        %run_scoped3A_121 = tpu.sem_alloc : memref<!tpu.dma_semaphore, #tpu.memory_space<semaphore_mem>>
        %dma_start3A_122 = arith.constant 0 : i32
        %dma_start3A_123 = tpu.memref_slice %arg8[%add3A_98, %dma_start3A_122] : memref<38x128xi32, #tpu.memory_space<vmem>> -> memref<1x128xi32, #tpu.memory_space<vmem>>
        %dma_start3A_124 = tpu.memref_squeeze %dma_start3A_123 : memref<1x128xi32, #tpu.memory_space<vmem>> -> memref<128xi32, #tpu.memory_space<vmem>>
        %dma_start3A_125 = arith.constant 0 : i32
        %dma_start3A_126 = arith.constant 0 : i32
        %dma_start3A_127 = tpu.memref_slice %arg11[%dma_start3A_125, %dma_start3A_126] : memref<10256x128xf32, #tpu.memory_space<vmem_shared>> -> memref<10256x128xf32, #tpu.memory_space<vmem_shared>>
        tpu.enqueue_indirect_dma source(%arg10 : memref<128x128xf32, #tpu.memory_space<vmem>>) target(%dma_start3A_127 : memref<10256x128xf32, #tpu.memory_space<vmem_shared>>) offsets(%dma_start3A_124 : memref<128xi32, #tpu.memory_space<vmem>>) semaphore(%run_scoped3A_121 : memref<!tpu.dma_semaphore, #tpu.memory_space<semaphore_mem>>) {add = true}
        %dma_wait3A_128 = arith.constant 0 : i32
        %dma_wait3A_129 = tpu.memref_slice %arg8[%add3A_98, %dma_wait3A_128] : memref<38x128xi32, #tpu.memory_space<vmem>> -> memref<1x128xi32, #tpu.memory_space<vmem>>
        %dma_wait3A_130 = tpu.memref_squeeze %dma_wait3A_129 : memref<1x128xi32, #tpu.memory_space<vmem>> -> memref<128xi32, #tpu.memory_space<vmem>>
        %dma_wait3A_131 = arith.constant 0 : i32
        %dma_wait3A_132 = arith.constant 0 : i32
        %dma_wait3A_133 = tpu.memref_slice %arg11[%dma_wait3A_131, %dma_wait3A_132] : memref<10256x128xf32, #tpu.memory_space<vmem_shared>> -> memref<10256x128xf32, #tpu.memory_space<vmem_shared>>
        tpu.wait_indirect_dma semaphore(%run_scoped3A_121 : memref<!tpu.dma_semaphore, #tpu.memory_space<semaphore_mem>>) src(%arg10 : memref<128x128xf32, #tpu.memory_space<vmem>>) dst(%dma_wait3A_133 : memref<10256x128xf32, #tpu.memory_space<vmem_shared>>)
        tpu.yield
      }) : () -> ()
    }
    %scan3A_33 = arith.constant 19 : i32
    %run_scoped3A_34 = arith.constant 1 : i32
    %run_scoped3A_35 = arith.constant 1 : i32
    "tpu.region"() ({
      %run_scoped3A_95 = tpu.sem_alloc : memref<!tpu.dma_semaphore, #tpu.memory_space<semaphore_mem>>
      %dma_start3A = arith.constant 0 : i32
      %dma_start3A_96 = arith.constant 0 : i32
      %dma_start3A_97 = tpu.memref_slice %arg3[%run_scoped3A_34, %arg0, %arg1, %run_scoped3A_35, %dma_start3A, %dma_start3A_96] : memref<4x2x16x2x38x128xi32, #tpu.memory_space<hbm>> -> memref<1x1x1x1x38x128xi32, #tpu.memory_space<hbm>>
      %dma_start3A_98 = tpu.memref_squeeze %dma_start3A_97 : memref<1x1x1x1x38x128xi32, #tpu.memory_space<hbm>> -> memref<38x128xi32, #tpu.memory_space<hbm>>
      %dma_start3A_99 = arith.constant 0 : i32
      %dma_start3A_100 = arith.constant 0 : i32
      %dma_start3A_101 = tpu.memref_slice %arg3[%run_scoped3A_34, %arg0, %arg1, %run_scoped3A_35, %dma_start3A_99, %dma_start3A_100] : memref<4x2x16x2x38x128xi32, #tpu.memory_space<hbm>> -> memref<1x1x1x1x38x128xi32, #tpu.memory_space<hbm>>
      %dma_start3A_102 = tpu.memref_squeeze %dma_start3A_101 : memref<1x1x1x1x38x128xi32, #tpu.memory_space<hbm>> -> memref<38x128xi32, #tpu.memory_space<hbm>>
      tpu.enqueue_dma source(%dma_start3A_102 : memref<38x128xi32, #tpu.memory_space<hbm>>) target(%arg7 : memref<38x128xi32, #tpu.memory_space<vmem>>) target_semaphore(%run_scoped3A_95 : memref<!tpu.dma_semaphore, #tpu.memory_space<semaphore_mem>>)
      %dma_wait3A = arith.constant 0 : i32
      %dma_wait3A_103 = arith.constant 0 : i32
      %dma_wait3A_104 = tpu.memref_slice %arg3[%run_scoped3A_34, %arg0, %arg1, %run_scoped3A_35, %dma_wait3A, %dma_wait3A_103] : memref<4x2x16x2x38x128xi32, #tpu.memory_space<hbm>> -> memref<1x1x1x1x38x128xi32, #tpu.memory_space<hbm>>
      %dma_wait3A_105 = tpu.memref_squeeze %dma_wait3A_104 : memref<1x1x1x1x38x128xi32, #tpu.memory_space<hbm>> -> memref<38x128xi32, #tpu.memory_space<hbm>>
      %dma_wait3A_106 = arith.constant 0 : i32
      %dma_wait3A_107 = arith.constant 0 : i32
      %dma_wait3A_108 = tpu.memref_slice %arg3[%run_scoped3A_34, %arg0, %arg1, %run_scoped3A_35, %dma_wait3A_106, %dma_wait3A_107] : memref<4x2x16x2x38x128xi32, #tpu.memory_space<hbm>> -> memref<1x1x1x1x38x128xi32, #tpu.memory_space<hbm>>
      %dma_wait3A_109 = tpu.memref_squeeze %dma_wait3A_108 : memref<1x1x1x1x38x128xi32, #tpu.memory_space<hbm>> -> memref<38x128xi32, #tpu.memory_space<hbm>>
      tpu.wait_dma2 semaphore(%run_scoped3A_95 : memref<!tpu.dma_semaphore, #tpu.memory_space<semaphore_mem>>) src(%dma_wait3A_109 : memref<38x128xi32, #tpu.memory_space<hbm>>) dst(%arg7 : memref<38x128xi32, #tpu.memory_space<vmem>>)
      tpu.yield
    }) : () -> ()
    %run_scoped3A_36 = arith.constant 1 : i32
    "tpu.region"() ({
      %run_scoped3A_95 = tpu.sem_alloc : memref<!tpu.dma_semaphore, #tpu.memory_space<semaphore_mem>>
      %dma_start3A = arith.constant 0 : i32
      %dma_start3A_96 = arith.constant 0 : i32
      %dma_start3A_97 = tpu.memref_slice %arg4[%arg0, %arg1, %run_scoped3A_36, %dma_start3A, %dma_start3A_96] : memref<2x16x2x38x128xi32, #tpu.memory_space<hbm>> -> memref<1x1x1x38x128xi32, #tpu.memory_space<hbm>>
      %dma_start3A_98 = tpu.memref_squeeze %dma_start3A_97 : memref<1x1x1x38x128xi32, #tpu.memory_space<hbm>> -> memref<38x128xi32, #tpu.memory_space<hbm>>
      %dma_start3A_99 = arith.constant 0 : i32
      %dma_start3A_100 = arith.constant 0 : i32
      %dma_start3A_101 = tpu.memref_slice %arg4[%arg0, %arg1, %run_scoped3A_36, %dma_start3A_99, %dma_start3A_100] : memref<2x16x2x38x128xi32, #tpu.memory_space<hbm>> -> memref<1x1x1x38x128xi32, #tpu.memory_space<hbm>>
      %dma_start3A_102 = tpu.memref_squeeze %dma_start3A_101 : memref<1x1x1x38x128xi32, #tpu.memory_space<hbm>> -> memref<38x128xi32, #tpu.memory_space<hbm>>
      tpu.enqueue_dma source(%dma_start3A_102 : memref<38x128xi32, #tpu.memory_space<hbm>>) target(%arg8 : memref<38x128xi32, #tpu.memory_space<vmem>>) target_semaphore(%run_scoped3A_95 : memref<!tpu.dma_semaphore, #tpu.memory_space<semaphore_mem>>)
      %dma_wait3A = arith.constant 0 : i32
      %dma_wait3A_103 = arith.constant 0 : i32
      %dma_wait3A_104 = tpu.memref_slice %arg4[%arg0, %arg1, %run_scoped3A_36, %dma_wait3A, %dma_wait3A_103] : memref<2x16x2x38x128xi32, #tpu.memory_space<hbm>> -> memref<1x1x1x38x128xi32, #tpu.memory_space<hbm>>
      %dma_wait3A_105 = tpu.memref_squeeze %dma_wait3A_104 : memref<1x1x1x38x128xi32, #tpu.memory_space<hbm>> -> memref<38x128xi32, #tpu.memory_space<hbm>>
      %dma_wait3A_106 = arith.constant 0 : i32
      %dma_wait3A_107 = arith.constant 0 : i32
      %dma_wait3A_108 = tpu.memref_slice %arg4[%arg0, %arg1, %run_scoped3A_36, %dma_wait3A_106, %dma_wait3A_107] : memref<2x16x2x38x128xi32, #tpu.memory_space<hbm>> -> memref<1x1x1x38x128xi32, #tpu.memory_space<hbm>>
      %dma_wait3A_109 = tpu.memref_squeeze %dma_wait3A_108 : memref<1x1x1x38x128xi32, #tpu.memory_space<hbm>> -> memref<38x128xi32, #tpu.memory_space<hbm>>
      tpu.wait_dma2 semaphore(%run_scoped3A_95 : memref<!tpu.dma_semaphore, #tpu.memory_space<semaphore_mem>>) src(%dma_wait3A_109 : memref<38x128xi32, #tpu.memory_space<hbm>>) dst(%arg8 : memref<38x128xi32, #tpu.memory_space<vmem>>)
      tpu.yield
    }) : () -> ()
    %scan3A_37 = arith.constant 0 : i32
    %scan3A_38 = arith.constant 19 : i32
    %scan3A_39 = arith.addi %scan3A_37, %scan3A_38 : i32
    %scan3A_40 = arith.constant 1 : i32
    scf.for %scan3A_95 = %scan3A_37 to %scan3A_39 step %scan3A_40  : i32 {
      %mul3A_96 = arith.constant 2 : i32
      %mul3A_97 = arith.muli %mul3A_96, %scan3A_95 : i32
      %add3A = arith.constant 1 : i32
      %add3A_98 = arith.addi %mul3A_97, %add3A : i32
      %dma_start3A = arith.constant 0 : i32
      %dma_start3A_99 = tpu.memref_slice %arg7[%mul3A_97, %dma_start3A] : memref<38x128xi32, #tpu.memory_space<vmem>> -> memref<1x128xi32, #tpu.memory_space<vmem>>
      %dma_start3A_100 = tpu.memref_squeeze %dma_start3A_99 : memref<1x128xi32, #tpu.memory_space<vmem>> -> memref<128xi32, #tpu.memory_space<vmem>>
      %dma_start3A_101 = arith.constant 0 : i32
      %dma_start3A_102 = arith.constant 0 : i32
      %dma_start3A_103 = tpu.memref_slice %arg2[%dma_start3A_101, %dma_start3A_102] : memref<400000x128xf32, #tpu.memory_space<hbm>> -> memref<400000x128xf32, #tpu.memory_space<hbm>>
      tpu.enqueue_indirect_dma source(%dma_start3A_103 : memref<400000x128xf32, #tpu.memory_space<hbm>>) target(%arg9 : memref<128x128xf32, #tpu.memory_space<vmem>>) offsets(%dma_start3A_100 : memref<128xi32, #tpu.memory_space<vmem>>) semaphore(%arg12 : memref<!tpu.dma_semaphore, #tpu.memory_space<semaphore_mem>>)
      %dma_start3A_104 = arith.constant 0 : i32
      %dma_start3A_105 = tpu.memref_slice %arg7[%add3A_98, %dma_start3A_104] : memref<38x128xi32, #tpu.memory_space<vmem>> -> memref<1x128xi32, #tpu.memory_space<vmem>>
      %dma_start3A_106 = tpu.memref_squeeze %dma_start3A_105 : memref<1x128xi32, #tpu.memory_space<vmem>> -> memref<128xi32, #tpu.memory_space<vmem>>
      %dma_start3A_107 = arith.constant 0 : i32
      %dma_start3A_108 = arith.constant 0 : i32
      %dma_start3A_109 = tpu.memref_slice %arg2[%dma_start3A_107, %dma_start3A_108] : memref<400000x128xf32, #tpu.memory_space<hbm>> -> memref<400000x128xf32, #tpu.memory_space<hbm>>
      tpu.enqueue_indirect_dma source(%dma_start3A_109 : memref<400000x128xf32, #tpu.memory_space<hbm>>) target(%arg10 : memref<128x128xf32, #tpu.memory_space<vmem>>) offsets(%dma_start3A_106 : memref<128xi32, #tpu.memory_space<vmem>>) semaphore(%arg13 : memref<!tpu.dma_semaphore, #tpu.memory_space<semaphore_mem>>)
      %dma_wait3A = arith.constant 0 : i32
      %dma_wait3A_110 = tpu.memref_slice %arg7[%mul3A_97, %dma_wait3A] : memref<38x128xi32, #tpu.memory_space<vmem>> -> memref<1x128xi32, #tpu.memory_space<vmem>>
      %dma_wait3A_111 = tpu.memref_squeeze %dma_wait3A_110 : memref<1x128xi32, #tpu.memory_space<vmem>> -> memref<128xi32, #tpu.memory_space<vmem>>
      %dma_wait3A_112 = arith.constant 0 : i32
      %dma_wait3A_113 = arith.constant 0 : i32
      %dma_wait3A_114 = tpu.memref_slice %arg2[%dma_wait3A_112, %dma_wait3A_113] : memref<400000x128xf32, #tpu.memory_space<hbm>> -> memref<400000x128xf32, #tpu.memory_space<hbm>>
      tpu.wait_indirect_dma semaphore(%arg12 : memref<!tpu.dma_semaphore, #tpu.memory_space<semaphore_mem>>) src(%dma_wait3A_114 : memref<400000x128xf32, #tpu.memory_space<hbm>>) dst(%arg9 : memref<128x128xf32, #tpu.memory_space<vmem>>)
      "tpu.region"() ({
        %run_scoped3A_121 = tpu.sem_alloc : memref<!tpu.dma_semaphore, #tpu.memory_space<semaphore_mem>>
        %dma_start3A_122 = arith.constant 0 : i32
        %dma_start3A_123 = tpu.memref_slice %arg8[%mul3A_97, %dma_start3A_122] : memref<38x128xi32, #tpu.memory_space<vmem>> -> memref<1x128xi32, #tpu.memory_space<vmem>>
        %dma_start3A_124 = tpu.memref_squeeze %dma_start3A_123 : memref<1x128xi32, #tpu.memory_space<vmem>> -> memref<128xi32, #tpu.memory_space<vmem>>
        %dma_start3A_125 = arith.constant 0 : i32
        %dma_start3A_126 = arith.constant 0 : i32
        %dma_start3A_127 = tpu.memref_slice %arg11[%dma_start3A_125, %dma_start3A_126] : memref<10256x128xf32, #tpu.memory_space<vmem_shared>> -> memref<10256x128xf32, #tpu.memory_space<vmem_shared>>
        tpu.enqueue_indirect_dma source(%arg9 : memref<128x128xf32, #tpu.memory_space<vmem>>) target(%dma_start3A_127 : memref<10256x128xf32, #tpu.memory_space<vmem_shared>>) offsets(%dma_start3A_124 : memref<128xi32, #tpu.memory_space<vmem>>) semaphore(%run_scoped3A_121 : memref<!tpu.dma_semaphore, #tpu.memory_space<semaphore_mem>>) {add = true}
        %dma_wait3A_128 = arith.constant 0 : i32
        %dma_wait3A_129 = tpu.memref_slice %arg8[%mul3A_97, %dma_wait3A_128] : memref<38x128xi32, #tpu.memory_space<vmem>> -> memref<1x128xi32, #tpu.memory_space<vmem>>
        %dma_wait3A_130 = tpu.memref_squeeze %dma_wait3A_129 : memref<1x128xi32, #tpu.memory_space<vmem>> -> memref<128xi32, #tpu.memory_space<vmem>>
        %dma_wait3A_131 = arith.constant 0 : i32
        %dma_wait3A_132 = arith.constant 0 : i32
        %dma_wait3A_133 = tpu.memref_slice %arg11[%dma_wait3A_131, %dma_wait3A_132] : memref<10256x128xf32, #tpu.memory_space<vmem_shared>> -> memref<10256x128xf32, #tpu.memory_space<vmem_shared>>
        tpu.wait_indirect_dma semaphore(%run_scoped3A_121 : memref<!tpu.dma_semaphore, #tpu.memory_space<semaphore_mem>>) src(%arg9 : memref<128x128xf32, #tpu.memory_space<vmem>>) dst(%dma_wait3A_133 : memref<10256x128xf32, #tpu.memory_space<vmem_shared>>)
        tpu.yield
      }) : () -> ()
      %dma_wait3A_115 = arith.constant 0 : i32
      %dma_wait3A_116 = tpu.memref_slice %arg7[%add3A_98, %dma_wait3A_115] : memref<38x128xi32, #tpu.memory_space<vmem>> -> memref<1x128xi32, #tpu.memory_space<vmem>>
      %dma_wait3A_117 = tpu.memref_squeeze %dma_wait3A_116 : memref<1x128xi32, #tpu.memory_space<vmem>> -> memref<128xi32, #tpu.memory_space<vmem>>
      %dma_wait3A_118 = arith.constant 0 : i32
      %dma_wait3A_119 = arith.constant 0 : i32
      %dma_wait3A_120 = tpu.memref_slice %arg2[%dma_wait3A_118, %dma_wait3A_119] : memref<400000x128xf32, #tpu.memory_space<hbm>> -> memref<400000x128xf32, #tpu.memory_space<hbm>>
      tpu.wait_indirect_dma semaphore(%arg13 : memref<!tpu.dma_semaphore, #tpu.memory_space<semaphore_mem>>) src(%dma_wait3A_120 : memref<400000x128xf32, #tpu.memory_space<hbm>>) dst(%arg10 : memref<128x128xf32, #tpu.memory_space<vmem>>)
      "tpu.region"() ({
        %run_scoped3A_121 = tpu.sem_alloc : memref<!tpu.dma_semaphore, #tpu.memory_space<semaphore_mem>>
        %dma_start3A_122 = arith.constant 0 : i32
        %dma_start3A_123 = tpu.memref_slice %arg8[%add3A_98, %dma_start3A_122] : memref<38x128xi32, #tpu.memory_space<vmem>> -> memref<1x128xi32, #tpu.memory_space<vmem>>
        %dma_start3A_124 = tpu.memref_squeeze %dma_start3A_123 : memref<1x128xi32, #tpu.memory_space<vmem>> -> memref<128xi32, #tpu.memory_space<vmem>>
        %dma_start3A_125 = arith.constant 0 : i32
        %dma_start3A_126 = arith.constant 0 : i32
        %dma_start3A_127 = tpu.memref_slice %arg11[%dma_start3A_125, %dma_start3A_126] : memref<10256x128xf32, #tpu.memory_space<vmem_shared>> -> memref<10256x128xf32, #tpu.memory_space<vmem_shared>>
        tpu.enqueue_indirect_dma source(%arg10 : memref<128x128xf32, #tpu.memory_space<vmem>>) target(%dma_start3A_127 : memref<10256x128xf32, #tpu.memory_space<vmem_shared>>) offsets(%dma_start3A_124 : memref<128xi32, #tpu.memory_space<vmem>>) semaphore(%run_scoped3A_121 : memref<!tpu.dma_semaphore, #tpu.memory_space<semaphore_mem>>) {add = true}
        %dma_wait3A_128 = arith.constant 0 : i32
        %dma_wait3A_129 = tpu.memref_slice %arg8[%add3A_98, %dma_wait3A_128] : memref<38x128xi32, #tpu.memory_space<vmem>> -> memref<1x128xi32, #tpu.memory_space<vmem>>
        %dma_wait3A_130 = tpu.memref_squeeze %dma_wait3A_129 : memref<1x128xi32, #tpu.memory_space<vmem>> -> memref<128xi32, #tpu.memory_space<vmem>>
        %dma_wait3A_131 = arith.constant 0 : i32
        %dma_wait3A_132 = arith.constant 0 : i32
        %dma_wait3A_133 = tpu.memref_slice %arg11[%dma_wait3A_131, %dma_wait3A_132] : memref<10256x128xf32, #tpu.memory_space<vmem_shared>> -> memref<10256x128xf32, #tpu.memory_space<vmem_shared>>
        tpu.wait_indirect_dma semaphore(%run_scoped3A_121 : memref<!tpu.dma_semaphore, #tpu.memory_space<semaphore_mem>>) src(%arg10 : memref<128x128xf32, #tpu.memory_space<vmem>>) dst(%dma_wait3A_133 : memref<10256x128xf32, #tpu.memory_space<vmem_shared>>)
        tpu.yield
      }) : () -> ()
    }
    %scan3A_41 = arith.constant 19 : i32
    %barrier3A_42 = arith.constant 0 : index
    tpu.barrier barrier_id(%barrier3A_42)
    %run_scoped3A_43 = arith.constant 1 : i32
    "tpu.region"() ({
      %run_scoped3A_95 = tpu.sem_alloc : memref<!tpu.dma_semaphore, #tpu.memory_space<semaphore_mem>>
      %dma_start3A = arith.constant 0 : i32
      %dma_start3A_96 = tpu.memref_slice %arg6[%arg0, %run_scoped3A_43, %mul3A_0, %dma_start3A] : memref<2x4x10240x128xf32, #tpu.memory_space<hbm>> -> memref<1x1x640x128xf32, #tpu.memory_space<hbm>>
      %dma_start3A_97 = tpu.memref_squeeze %dma_start3A_96 : memref<1x1x640x128xf32, #tpu.memory_space<hbm>> -> memref<640x128xf32, #tpu.memory_space<hbm>>
      %dma_start3A_98 = arith.constant 0 : i32
      %dma_start3A_99 = tpu.memref_slice %arg11[%mul3A_0, %dma_start3A_98] : memref<10256x128xf32, #tpu.memory_space<vmem_shared>> -> memref<640x128xf32, #tpu.memory_space<vmem_shared>>
      tpu.enqueue_dma source(%dma_start3A_99 : memref<640x128xf32, #tpu.memory_space<vmem_shared>>) target(%dma_start3A_97 : memref<640x128xf32, #tpu.memory_space<hbm>>) target_semaphore(%run_scoped3A_95 : memref<!tpu.dma_semaphore, #tpu.memory_space<semaphore_mem>>)
      %dma_wait3A = arith.constant 0 : i32
      %dma_wait3A_100 = tpu.memref_slice %arg6[%arg0, %run_scoped3A_43, %mul3A_0, %dma_wait3A] : memref<2x4x10240x128xf32, #tpu.memory_space<hbm>> -> memref<1x1x640x128xf32, #tpu.memory_space<hbm>>
      %dma_wait3A_101 = tpu.memref_squeeze %dma_wait3A_100 : memref<1x1x640x128xf32, #tpu.memory_space<hbm>> -> memref<640x128xf32, #tpu.memory_space<hbm>>
      %dma_wait3A_102 = arith.constant 0 : i32
      %dma_wait3A_103 = tpu.memref_slice %arg11[%mul3A_0, %dma_wait3A_102] : memref<10256x128xf32, #tpu.memory_space<vmem_shared>> -> memref<640x128xf32, #tpu.memory_space<vmem_shared>>
      tpu.wait_dma2 semaphore(%run_scoped3A_95 : memref<!tpu.dma_semaphore, #tpu.memory_space<semaphore_mem>>) src(%dma_wait3A_103 : memref<640x128xf32, #tpu.memory_space<vmem_shared>>) dst(%dma_wait3A_101 : memref<640x128xf32, #tpu.memory_space<hbm>>)
      tpu.yield
    }) : () -> ()
    %barrier3A_44 = arith.constant 0 : index
    tpu.barrier barrier_id(%barrier3A_44)
    "tpu.region"() ({
      %run_scoped3A_95 = tpu.sem_alloc : memref<!tpu.dma_semaphore, #tpu.memory_space<semaphore_mem>>
      %dma_start3A = arith.constant 0 : i32
      %dma_start3A_96 = tpu.memref_slice %arg11[%mul3A_0, %dma_start3A] : memref<10256x128xf32, #tpu.memory_space<vmem_shared>> -> memref<640x128xf32, #tpu.memory_space<vmem_shared>>
      tpu.enqueue_dma source(%arg5 : memref<640x128xf32, #tpu.memory_space<hbm>>) target(%dma_start3A_96 : memref<640x128xf32, #tpu.memory_space<vmem_shared>>) target_semaphore(%run_scoped3A_95 : memref<!tpu.dma_semaphore, #tpu.memory_space<semaphore_mem>>)
      %dma_wait3A = arith.constant 0 : i32
      %dma_wait3A_97 = tpu.memref_slice %arg11[%mul3A_0, %dma_wait3A] : memref<10256x128xf32, #tpu.memory_space<vmem_shared>> -> memref<640x128xf32, #tpu.memory_space<vmem_shared>>
      tpu.wait_dma2 semaphore(%run_scoped3A_95 : memref<!tpu.dma_semaphore, #tpu.memory_space<semaphore_mem>>) src(%arg5 : memref<640x128xf32, #tpu.memory_space<hbm>>) dst(%dma_wait3A_97 : memref<640x128xf32, #tpu.memory_space<vmem_shared>>)
      tpu.yield
    }) : () -> ()
    %eq3A_45 = arith.constant 15 : i32
    %eq3A_46 = arith.cmpi eq, %arg1, %eq3A_45 : i32
    %convert_element_type3A_47 = arith.extui %eq3A_46 : i1 to i32
    %cond3A_48 = arith.constant 0 : i32
    %cond3A_49 = arith.cmpi ne, %convert_element_type3A_47, %cond3A_48 : i32
    scf.if %cond3A_49 {
      "tpu.region"() ({
        %run_scoped3A_95 = tpu.sem_alloc : memref<!tpu.dma_semaphore, #tpu.memory_space<semaphore_mem>>
        %dma_start3A = arith.constant 10240 : i32
        %dma_start3A_96 = arith.constant 0 : i32
        %dma_start3A_97 = tpu.memref_slice %arg11[%dma_start3A, %dma_start3A_96] : memref<10256x128xf32, #tpu.memory_space<vmem_shared>> -> memref<16x128xf32, #tpu.memory_space<vmem_shared>>
        %dma_start3A_98 = arith.constant 0 : i32
        %dma_start3A_99 = arith.constant 0 : i32
        %dma_start3A_100 = tpu.memref_slice %arg5[%dma_start3A_98, %dma_start3A_99] : memref<640x128xf32, #tpu.memory_space<hbm>> -> memref<16x128xf32, #tpu.memory_space<hbm>>
        tpu.enqueue_dma source(%dma_start3A_100 : memref<16x128xf32, #tpu.memory_space<hbm>>) target(%dma_start3A_97 : memref<16x128xf32, #tpu.memory_space<vmem_shared>>) target_semaphore(%run_scoped3A_95 : memref<!tpu.dma_semaphore, #tpu.memory_space<semaphore_mem>>)
        %dma_wait3A = arith.constant 10240 : i32
        %dma_wait3A_101 = arith.constant 0 : i32
        %dma_wait3A_102 = tpu.memref_slice %arg11[%dma_wait3A, %dma_wait3A_101] : memref<10256x128xf32, #tpu.memory_space<vmem_shared>> -> memref<16x128xf32, #tpu.memory_space<vmem_shared>>
        %dma_wait3A_103 = arith.constant 0 : i32
        %dma_wait3A_104 = arith.constant 0 : i32
        %dma_wait3A_105 = tpu.memref_slice %arg5[%dma_wait3A_103, %dma_wait3A_104] : memref<640x128xf32, #tpu.memory_space<hbm>> -> memref<16x128xf32, #tpu.memory_space<hbm>>
        tpu.wait_dma2 semaphore(%run_scoped3A_95 : memref<!tpu.dma_semaphore, #tpu.memory_space<semaphore_mem>>) src(%dma_wait3A_105 : memref<16x128xf32, #tpu.memory_space<hbm>>) dst(%dma_wait3A_102 : memref<16x128xf32, #tpu.memory_space<vmem_shared>>)
        tpu.yield
      }) : () -> ()
    } else {
    }
    %barrier3A_50 = arith.constant 0 : index
    tpu.barrier barrier_id(%barrier3A_50)
    %run_scoped3A_51 = arith.constant 2 : i32
    %run_scoped3A_52 = arith.constant 0 : i32
    "tpu.region"() ({
      %run_scoped3A_95 = tpu.sem_alloc : memref<!tpu.dma_semaphore, #tpu.memory_space<semaphore_mem>>
      %dma_start3A = arith.constant 0 : i32
      %dma_start3A_96 = arith.constant 0 : i32
      %dma_start3A_97 = tpu.memref_slice %arg3[%run_scoped3A_51, %arg0, %arg1, %run_scoped3A_52, %dma_start3A, %dma_start3A_96] : memref<4x2x16x2x38x128xi32, #tpu.memory_space<hbm>> -> memref<1x1x1x1x38x128xi32, #tpu.memory_space<hbm>>
      %dma_start3A_98 = tpu.memref_squeeze %dma_start3A_97 : memref<1x1x1x1x38x128xi32, #tpu.memory_space<hbm>> -> memref<38x128xi32, #tpu.memory_space<hbm>>
      %dma_start3A_99 = arith.constant 0 : i32
      %dma_start3A_100 = arith.constant 0 : i32
      %dma_start3A_101 = tpu.memref_slice %arg3[%run_scoped3A_51, %arg0, %arg1, %run_scoped3A_52, %dma_start3A_99, %dma_start3A_100] : memref<4x2x16x2x38x128xi32, #tpu.memory_space<hbm>> -> memref<1x1x1x1x38x128xi32, #tpu.memory_space<hbm>>
      %dma_start3A_102 = tpu.memref_squeeze %dma_start3A_101 : memref<1x1x1x1x38x128xi32, #tpu.memory_space<hbm>> -> memref<38x128xi32, #tpu.memory_space<hbm>>
      tpu.enqueue_dma source(%dma_start3A_102 : memref<38x128xi32, #tpu.memory_space<hbm>>) target(%arg7 : memref<38x128xi32, #tpu.memory_space<vmem>>) target_semaphore(%run_scoped3A_95 : memref<!tpu.dma_semaphore, #tpu.memory_space<semaphore_mem>>)
      %dma_wait3A = arith.constant 0 : i32
      %dma_wait3A_103 = arith.constant 0 : i32
      %dma_wait3A_104 = tpu.memref_slice %arg3[%run_scoped3A_51, %arg0, %arg1, %run_scoped3A_52, %dma_wait3A, %dma_wait3A_103] : memref<4x2x16x2x38x128xi32, #tpu.memory_space<hbm>> -> memref<1x1x1x1x38x128xi32, #tpu.memory_space<hbm>>
      %dma_wait3A_105 = tpu.memref_squeeze %dma_wait3A_104 : memref<1x1x1x1x38x128xi32, #tpu.memory_space<hbm>> -> memref<38x128xi32, #tpu.memory_space<hbm>>
      %dma_wait3A_106 = arith.constant 0 : i32
      %dma_wait3A_107 = arith.constant 0 : i32
      %dma_wait3A_108 = tpu.memref_slice %arg3[%run_scoped3A_51, %arg0, %arg1, %run_scoped3A_52, %dma_wait3A_106, %dma_wait3A_107] : memref<4x2x16x2x38x128xi32, #tpu.memory_space<hbm>> -> memref<1x1x1x1x38x128xi32, #tpu.memory_space<hbm>>
      %dma_wait3A_109 = tpu.memref_squeeze %dma_wait3A_108 : memref<1x1x1x1x38x128xi32, #tpu.memory_space<hbm>> -> memref<38x128xi32, #tpu.memory_space<hbm>>
      tpu.wait_dma2 semaphore(%run_scoped3A_95 : memref<!tpu.dma_semaphore, #tpu.memory_space<semaphore_mem>>) src(%dma_wait3A_109 : memref<38x128xi32, #tpu.memory_space<hbm>>) dst(%arg7 : memref<38x128xi32, #tpu.memory_space<vmem>>)
      tpu.yield
    }) : () -> ()
    %run_scoped3A_53 = arith.constant 0 : i32
    "tpu.region"() ({
      %run_scoped3A_95 = tpu.sem_alloc : memref<!tpu.dma_semaphore, #tpu.memory_space<semaphore_mem>>
      %dma_start3A = arith.constant 0 : i32
      %dma_start3A_96 = arith.constant 0 : i32
      %dma_start3A_97 = tpu.memref_slice %arg4[%arg0, %arg1, %run_scoped3A_53, %dma_start3A, %dma_start3A_96] : memref<2x16x2x38x128xi32, #tpu.memory_space<hbm>> -> memref<1x1x1x38x128xi32, #tpu.memory_space<hbm>>
      %dma_start3A_98 = tpu.memref_squeeze %dma_start3A_97 : memref<1x1x1x38x128xi32, #tpu.memory_space<hbm>> -> memref<38x128xi32, #tpu.memory_space<hbm>>
      %dma_start3A_99 = arith.constant 0 : i32
      %dma_start3A_100 = arith.constant 0 : i32
      %dma_start3A_101 = tpu.memref_slice %arg4[%arg0, %arg1, %run_scoped3A_53, %dma_start3A_99, %dma_start3A_100] : memref<2x16x2x38x128xi32, #tpu.memory_space<hbm>> -> memref<1x1x1x38x128xi32, #tpu.memory_space<hbm>>
      %dma_start3A_102 = tpu.memref_squeeze %dma_start3A_101 : memref<1x1x1x38x128xi32, #tpu.memory_space<hbm>> -> memref<38x128xi32, #tpu.memory_space<hbm>>
      tpu.enqueue_dma source(%dma_start3A_102 : memref<38x128xi32, #tpu.memory_space<hbm>>) target(%arg8 : memref<38x128xi32, #tpu.memory_space<vmem>>) target_semaphore(%run_scoped3A_95 : memref<!tpu.dma_semaphore, #tpu.memory_space<semaphore_mem>>)
      %dma_wait3A = arith.constant 0 : i32
      %dma_wait3A_103 = arith.constant 0 : i32
      %dma_wait3A_104 = tpu.memref_slice %arg4[%arg0, %arg1, %run_scoped3A_53, %dma_wait3A, %dma_wait3A_103] : memref<2x16x2x38x128xi32, #tpu.memory_space<hbm>> -> memref<1x1x1x38x128xi32, #tpu.memory_space<hbm>>
      %dma_wait3A_105 = tpu.memref_squeeze %dma_wait3A_104 : memref<1x1x1x38x128xi32, #tpu.memory_space<hbm>> -> memref<38x128xi32, #tpu.memory_space<hbm>>
      %dma_wait3A_106 = arith.constant 0 : i32
      %dma_wait3A_107 = arith.constant 0 : i32
      %dma_wait3A_108 = tpu.memref_slice %arg4[%arg0, %arg1, %run_scoped3A_53, %dma_wait3A_106, %dma_wait3A_107] : memref<2x16x2x38x128xi32, #tpu.memory_space<hbm>> -> memref<1x1x1x38x128xi32, #tpu.memory_space<hbm>>
      %dma_wait3A_109 = tpu.memref_squeeze %dma_wait3A_108 : memref<1x1x1x38x128xi32, #tpu.memory_space<hbm>> -> memref<38x128xi32, #tpu.memory_space<hbm>>
      tpu.wait_dma2 semaphore(%run_scoped3A_95 : memref<!tpu.dma_semaphore, #tpu.memory_space<semaphore_mem>>) src(%dma_wait3A_109 : memref<38x128xi32, #tpu.memory_space<hbm>>) dst(%arg8 : memref<38x128xi32, #tpu.memory_space<vmem>>)
      tpu.yield
    }) : () -> ()
    %scan3A_54 = arith.constant 0 : i32
    %scan3A_55 = arith.constant 19 : i32
    %scan3A_56 = arith.addi %scan3A_54, %scan3A_55 : i32
    %scan3A_57 = arith.constant 1 : i32
    scf.for %scan3A_95 = %scan3A_54 to %scan3A_56 step %scan3A_57  : i32 {
      %mul3A_96 = arith.constant 2 : i32
      %mul3A_97 = arith.muli %mul3A_96, %scan3A_95 : i32
      %add3A = arith.constant 1 : i32
      %add3A_98 = arith.addi %mul3A_97, %add3A : i32
      %dma_start3A = arith.constant 0 : i32
      %dma_start3A_99 = tpu.memref_slice %arg7[%mul3A_97, %dma_start3A] : memref<38x128xi32, #tpu.memory_space<vmem>> -> memref<1x128xi32, #tpu.memory_space<vmem>>
      %dma_start3A_100 = tpu.memref_squeeze %dma_start3A_99 : memref<1x128xi32, #tpu.memory_space<vmem>> -> memref<128xi32, #tpu.memory_space<vmem>>
      %dma_start3A_101 = arith.constant 0 : i32
      %dma_start3A_102 = arith.constant 0 : i32
      %dma_start3A_103 = tpu.memref_slice %arg2[%dma_start3A_101, %dma_start3A_102] : memref<400000x128xf32, #tpu.memory_space<hbm>> -> memref<400000x128xf32, #tpu.memory_space<hbm>>
      tpu.enqueue_indirect_dma source(%dma_start3A_103 : memref<400000x128xf32, #tpu.memory_space<hbm>>) target(%arg9 : memref<128x128xf32, #tpu.memory_space<vmem>>) offsets(%dma_start3A_100 : memref<128xi32, #tpu.memory_space<vmem>>) semaphore(%arg12 : memref<!tpu.dma_semaphore, #tpu.memory_space<semaphore_mem>>)
      %dma_start3A_104 = arith.constant 0 : i32
      %dma_start3A_105 = tpu.memref_slice %arg7[%add3A_98, %dma_start3A_104] : memref<38x128xi32, #tpu.memory_space<vmem>> -> memref<1x128xi32, #tpu.memory_space<vmem>>
      %dma_start3A_106 = tpu.memref_squeeze %dma_start3A_105 : memref<1x128xi32, #tpu.memory_space<vmem>> -> memref<128xi32, #tpu.memory_space<vmem>>
      %dma_start3A_107 = arith.constant 0 : i32
      %dma_start3A_108 = arith.constant 0 : i32
      %dma_start3A_109 = tpu.memref_slice %arg2[%dma_start3A_107, %dma_start3A_108] : memref<400000x128xf32, #tpu.memory_space<hbm>> -> memref<400000x128xf32, #tpu.memory_space<hbm>>
      tpu.enqueue_indirect_dma source(%dma_start3A_109 : memref<400000x128xf32, #tpu.memory_space<hbm>>) target(%arg10 : memref<128x128xf32, #tpu.memory_space<vmem>>) offsets(%dma_start3A_106 : memref<128xi32, #tpu.memory_space<vmem>>) semaphore(%arg13 : memref<!tpu.dma_semaphore, #tpu.memory_space<semaphore_mem>>)
      %dma_wait3A = arith.constant 0 : i32
      %dma_wait3A_110 = tpu.memref_slice %arg7[%mul3A_97, %dma_wait3A] : memref<38x128xi32, #tpu.memory_space<vmem>> -> memref<1x128xi32, #tpu.memory_space<vmem>>
      %dma_wait3A_111 = tpu.memref_squeeze %dma_wait3A_110 : memref<1x128xi32, #tpu.memory_space<vmem>> -> memref<128xi32, #tpu.memory_space<vmem>>
      %dma_wait3A_112 = arith.constant 0 : i32
      %dma_wait3A_113 = arith.constant 0 : i32
      %dma_wait3A_114 = tpu.memref_slice %arg2[%dma_wait3A_112, %dma_wait3A_113] : memref<400000x128xf32, #tpu.memory_space<hbm>> -> memref<400000x128xf32, #tpu.memory_space<hbm>>
      tpu.wait_indirect_dma semaphore(%arg12 : memref<!tpu.dma_semaphore, #tpu.memory_space<semaphore_mem>>) src(%dma_wait3A_114 : memref<400000x128xf32, #tpu.memory_space<hbm>>) dst(%arg9 : memref<128x128xf32, #tpu.memory_space<vmem>>)
      "tpu.region"() ({
        %run_scoped3A_121 = tpu.sem_alloc : memref<!tpu.dma_semaphore, #tpu.memory_space<semaphore_mem>>
        %dma_start3A_122 = arith.constant 0 : i32
        %dma_start3A_123 = tpu.memref_slice %arg8[%mul3A_97, %dma_start3A_122] : memref<38x128xi32, #tpu.memory_space<vmem>> -> memref<1x128xi32, #tpu.memory_space<vmem>>
        %dma_start3A_124 = tpu.memref_squeeze %dma_start3A_123 : memref<1x128xi32, #tpu.memory_space<vmem>> -> memref<128xi32, #tpu.memory_space<vmem>>
        %dma_start3A_125 = arith.constant 0 : i32
        %dma_start3A_126 = arith.constant 0 : i32
        %dma_start3A_127 = tpu.memref_slice %arg11[%dma_start3A_125, %dma_start3A_126] : memref<10256x128xf32, #tpu.memory_space<vmem_shared>> -> memref<10256x128xf32, #tpu.memory_space<vmem_shared>>
        tpu.enqueue_indirect_dma source(%arg9 : memref<128x128xf32, #tpu.memory_space<vmem>>) target(%dma_start3A_127 : memref<10256x128xf32, #tpu.memory_space<vmem_shared>>) offsets(%dma_start3A_124 : memref<128xi32, #tpu.memory_space<vmem>>) semaphore(%run_scoped3A_121 : memref<!tpu.dma_semaphore, #tpu.memory_space<semaphore_mem>>) {add = true}
        %dma_wait3A_128 = arith.constant 0 : i32
        %dma_wait3A_129 = tpu.memref_slice %arg8[%mul3A_97, %dma_wait3A_128] : memref<38x128xi32, #tpu.memory_space<vmem>> -> memref<1x128xi32, #tpu.memory_space<vmem>>
        %dma_wait3A_130 = tpu.memref_squeeze %dma_wait3A_129 : memref<1x128xi32, #tpu.memory_space<vmem>> -> memref<128xi32, #tpu.memory_space<vmem>>
        %dma_wait3A_131 = arith.constant 0 : i32
        %dma_wait3A_132 = arith.constant 0 : i32
        %dma_wait3A_133 = tpu.memref_slice %arg11[%dma_wait3A_131, %dma_wait3A_132] : memref<10256x128xf32, #tpu.memory_space<vmem_shared>> -> memref<10256x128xf32, #tpu.memory_space<vmem_shared>>
        tpu.wait_indirect_dma semaphore(%run_scoped3A_121 : memref<!tpu.dma_semaphore, #tpu.memory_space<semaphore_mem>>) src(%arg9 : memref<128x128xf32, #tpu.memory_space<vmem>>) dst(%dma_wait3A_133 : memref<10256x128xf32, #tpu.memory_space<vmem_shared>>)
        tpu.yield
      }) : () -> ()
      %dma_wait3A_115 = arith.constant 0 : i32
      %dma_wait3A_116 = tpu.memref_slice %arg7[%add3A_98, %dma_wait3A_115] : memref<38x128xi32, #tpu.memory_space<vmem>> -> memref<1x128xi32, #tpu.memory_space<vmem>>
      %dma_wait3A_117 = tpu.memref_squeeze %dma_wait3A_116 : memref<1x128xi32, #tpu.memory_space<vmem>> -> memref<128xi32, #tpu.memory_space<vmem>>
      %dma_wait3A_118 = arith.constant 0 : i32
      %dma_wait3A_119 = arith.constant 0 : i32
      %dma_wait3A_120 = tpu.memref_slice %arg2[%dma_wait3A_118, %dma_wait3A_119] : memref<400000x128xf32, #tpu.memory_space<hbm>> -> memref<400000x128xf32, #tpu.memory_space<hbm>>
      tpu.wait_indirect_dma semaphore(%arg13 : memref<!tpu.dma_semaphore, #tpu.memory_space<semaphore_mem>>) src(%dma_wait3A_120 : memref<400000x128xf32, #tpu.memory_space<hbm>>) dst(%arg10 : memref<128x128xf32, #tpu.memory_space<vmem>>)
      "tpu.region"() ({
        %run_scoped3A_121 = tpu.sem_alloc : memref<!tpu.dma_semaphore, #tpu.memory_space<semaphore_mem>>
        %dma_start3A_122 = arith.constant 0 : i32
        %dma_start3A_123 = tpu.memref_slice %arg8[%add3A_98, %dma_start3A_122] : memref<38x128xi32, #tpu.memory_space<vmem>> -> memref<1x128xi32, #tpu.memory_space<vmem>>
        %dma_start3A_124 = tpu.memref_squeeze %dma_start3A_123 : memref<1x128xi32, #tpu.memory_space<vmem>> -> memref<128xi32, #tpu.memory_space<vmem>>
        %dma_start3A_125 = arith.constant 0 : i32
        %dma_start3A_126 = arith.constant 0 : i32
        %dma_start3A_127 = tpu.memref_slice %arg11[%dma_start3A_125, %dma_start3A_126] : memref<10256x128xf32, #tpu.memory_space<vmem_shared>> -> memref<10256x128xf32, #tpu.memory_space<vmem_shared>>
        tpu.enqueue_indirect_dma source(%arg10 : memref<128x128xf32, #tpu.memory_space<vmem>>) target(%dma_start3A_127 : memref<10256x128xf32, #tpu.memory_space<vmem_shared>>) offsets(%dma_start3A_124 : memref<128xi32, #tpu.memory_space<vmem>>) semaphore(%run_scoped3A_121 : memref<!tpu.dma_semaphore, #tpu.memory_space<semaphore_mem>>) {add = true}
        %dma_wait3A_128 = arith.constant 0 : i32
        %dma_wait3A_129 = tpu.memref_slice %arg8[%add3A_98, %dma_wait3A_128] : memref<38x128xi32, #tpu.memory_space<vmem>> -> memref<1x128xi32, #tpu.memory_space<vmem>>
        %dma_wait3A_130 = tpu.memref_squeeze %dma_wait3A_129 : memref<1x128xi32, #tpu.memory_space<vmem>> -> memref<128xi32, #tpu.memory_space<vmem>>
        %dma_wait3A_131 = arith.constant 0 : i32
        %dma_wait3A_132 = arith.constant 0 : i32
        %dma_wait3A_133 = tpu.memref_slice %arg11[%dma_wait3A_131, %dma_wait3A_132] : memref<10256x128xf32, #tpu.memory_space<vmem_shared>> -> memref<10256x128xf32, #tpu.memory_space<vmem_shared>>
        tpu.wait_indirect_dma semaphore(%run_scoped3A_121 : memref<!tpu.dma_semaphore, #tpu.memory_space<semaphore_mem>>) src(%arg10 : memref<128x128xf32, #tpu.memory_space<vmem>>) dst(%dma_wait3A_133 : memref<10256x128xf32, #tpu.memory_space<vmem_shared>>)
        tpu.yield
      }) : () -> ()
    }
    %scan3A_58 = arith.constant 19 : i32
    %run_scoped3A_59 = arith.constant 2 : i32
    %run_scoped3A_60 = arith.constant 1 : i32
    "tpu.region"() ({
      %run_scoped3A_95 = tpu.sem_alloc : memref<!tpu.dma_semaphore, #tpu.memory_space<semaphore_mem>>
      %dma_start3A = arith.constant 0 : i32
      %dma_start3A_96 = arith.constant 0 : i32
      %dma_start3A_97 = tpu.memref_slice %arg3[%run_scoped3A_59, %arg0, %arg1, %run_scoped3A_60, %dma_start3A, %dma_start3A_96] : memref<4x2x16x2x38x128xi32, #tpu.memory_space<hbm>> -> memref<1x1x1x1x38x128xi32, #tpu.memory_space<hbm>>
      %dma_start3A_98 = tpu.memref_squeeze %dma_start3A_97 : memref<1x1x1x1x38x128xi32, #tpu.memory_space<hbm>> -> memref<38x128xi32, #tpu.memory_space<hbm>>
      %dma_start3A_99 = arith.constant 0 : i32
      %dma_start3A_100 = arith.constant 0 : i32
      %dma_start3A_101 = tpu.memref_slice %arg3[%run_scoped3A_59, %arg0, %arg1, %run_scoped3A_60, %dma_start3A_99, %dma_start3A_100] : memref<4x2x16x2x38x128xi32, #tpu.memory_space<hbm>> -> memref<1x1x1x1x38x128xi32, #tpu.memory_space<hbm>>
      %dma_start3A_102 = tpu.memref_squeeze %dma_start3A_101 : memref<1x1x1x1x38x128xi32, #tpu.memory_space<hbm>> -> memref<38x128xi32, #tpu.memory_space<hbm>>
      tpu.enqueue_dma source(%dma_start3A_102 : memref<38x128xi32, #tpu.memory_space<hbm>>) target(%arg7 : memref<38x128xi32, #tpu.memory_space<vmem>>) target_semaphore(%run_scoped3A_95 : memref<!tpu.dma_semaphore, #tpu.memory_space<semaphore_mem>>)
      %dma_wait3A = arith.constant 0 : i32
      %dma_wait3A_103 = arith.constant 0 : i32
      %dma_wait3A_104 = tpu.memref_slice %arg3[%run_scoped3A_59, %arg0, %arg1, %run_scoped3A_60, %dma_wait3A, %dma_wait3A_103] : memref<4x2x16x2x38x128xi32, #tpu.memory_space<hbm>> -> memref<1x1x1x1x38x128xi32, #tpu.memory_space<hbm>>
      %dma_wait3A_105 = tpu.memref_squeeze %dma_wait3A_104 : memref<1x1x1x1x38x128xi32, #tpu.memory_space<hbm>> -> memref<38x128xi32, #tpu.memory_space<hbm>>
      %dma_wait3A_106 = arith.constant 0 : i32
      %dma_wait3A_107 = arith.constant 0 : i32
      %dma_wait3A_108 = tpu.memref_slice %arg3[%run_scoped3A_59, %arg0, %arg1, %run_scoped3A_60, %dma_wait3A_106, %dma_wait3A_107] : memref<4x2x16x2x38x128xi32, #tpu.memory_space<hbm>> -> memref<1x1x1x1x38x128xi32, #tpu.memory_space<hbm>>
      %dma_wait3A_109 = tpu.memref_squeeze %dma_wait3A_108 : memref<1x1x1x1x38x128xi32, #tpu.memory_space<hbm>> -> memref<38x128xi32, #tpu.memory_space<hbm>>
      tpu.wait_dma2 semaphore(%run_scoped3A_95 : memref<!tpu.dma_semaphore, #tpu.memory_space<semaphore_mem>>) src(%dma_wait3A_109 : memref<38x128xi32, #tpu.memory_space<hbm>>) dst(%arg7 : memref<38x128xi32, #tpu.memory_space<vmem>>)
      tpu.yield
    }) : () -> ()
    %run_scoped3A_61 = arith.constant 1 : i32
    "tpu.region"() ({
      %run_scoped3A_95 = tpu.sem_alloc : memref<!tpu.dma_semaphore, #tpu.memory_space<semaphore_mem>>
      %dma_start3A = arith.constant 0 : i32
      %dma_start3A_96 = arith.constant 0 : i32
      %dma_start3A_97 = tpu.memref_slice %arg4[%arg0, %arg1, %run_scoped3A_61, %dma_start3A, %dma_start3A_96] : memref<2x16x2x38x128xi32, #tpu.memory_space<hbm>> -> memref<1x1x1x38x128xi32, #tpu.memory_space<hbm>>
      %dma_start3A_98 = tpu.memref_squeeze %dma_start3A_97 : memref<1x1x1x38x128xi32, #tpu.memory_space<hbm>> -> memref<38x128xi32, #tpu.memory_space<hbm>>
      %dma_start3A_99 = arith.constant 0 : i32
      %dma_start3A_100 = arith.constant 0 : i32
      %dma_start3A_101 = tpu.memref_slice %arg4[%arg0, %arg1, %run_scoped3A_61, %dma_start3A_99, %dma_start3A_100] : memref<2x16x2x38x128xi32, #tpu.memory_space<hbm>> -> memref<1x1x1x38x128xi32, #tpu.memory_space<hbm>>
      %dma_start3A_102 = tpu.memref_squeeze %dma_start3A_101 : memref<1x1x1x38x128xi32, #tpu.memory_space<hbm>> -> memref<38x128xi32, #tpu.memory_space<hbm>>
      tpu.enqueue_dma source(%dma_start3A_102 : memref<38x128xi32, #tpu.memory_space<hbm>>) target(%arg8 : memref<38x128xi32, #tpu.memory_space<vmem>>) target_semaphore(%run_scoped3A_95 : memref<!tpu.dma_semaphore, #tpu.memory_space<semaphore_mem>>)
      %dma_wait3A = arith.constant 0 : i32
      %dma_wait3A_103 = arith.constant 0 : i32
      %dma_wait3A_104 = tpu.memref_slice %arg4[%arg0, %arg1, %run_scoped3A_61, %dma_wait3A, %dma_wait3A_103] : memref<2x16x2x38x128xi32, #tpu.memory_space<hbm>> -> memref<1x1x1x38x128xi32, #tpu.memory_space<hbm>>
      %dma_wait3A_105 = tpu.memref_squeeze %dma_wait3A_104 : memref<1x1x1x38x128xi32, #tpu.memory_space<hbm>> -> memref<38x128xi32, #tpu.memory_space<hbm>>
      %dma_wait3A_106 = arith.constant 0 : i32
      %dma_wait3A_107 = arith.constant 0 : i32
      %dma_wait3A_108 = tpu.memref_slice %arg4[%arg0, %arg1, %run_scoped3A_61, %dma_wait3A_106, %dma_wait3A_107] : memref<2x16x2x38x128xi32, #tpu.memory_space<hbm>> -> memref<1x1x1x38x128xi32, #tpu.memory_space<hbm>>
      %dma_wait3A_109 = tpu.memref_squeeze %dma_wait3A_108 : memref<1x1x1x38x128xi32, #tpu.memory_space<hbm>> -> memref<38x128xi32, #tpu.memory_space<hbm>>
      tpu.wait_dma2 semaphore(%run_scoped3A_95 : memref<!tpu.dma_semaphore, #tpu.memory_space<semaphore_mem>>) src(%dma_wait3A_109 : memref<38x128xi32, #tpu.memory_space<hbm>>) dst(%arg8 : memref<38x128xi32, #tpu.memory_space<vmem>>)
      tpu.yield
    }) : () -> ()
    %scan3A_62 = arith.constant 0 : i32
    %scan3A_63 = arith.constant 19 : i32
    %scan3A_64 = arith.addi %scan3A_62, %scan3A_63 : i32
    %scan3A_65 = arith.constant 1 : i32
    scf.for %scan3A_95 = %scan3A_62 to %scan3A_64 step %scan3A_65  : i32 {
      %mul3A_96 = arith.constant 2 : i32
      %mul3A_97 = arith.muli %mul3A_96, %scan3A_95 : i32
      %add3A = arith.constant 1 : i32
      %add3A_98 = arith.addi %mul3A_97, %add3A : i32
      %dma_start3A = arith.constant 0 : i32
      %dma_start3A_99 = tpu.memref_slice %arg7[%mul3A_97, %dma_start3A] : memref<38x128xi32, #tpu.memory_space<vmem>> -> memref<1x128xi32, #tpu.memory_space<vmem>>
      %dma_start3A_100 = tpu.memref_squeeze %dma_start3A_99 : memref<1x128xi32, #tpu.memory_space<vmem>> -> memref<128xi32, #tpu.memory_space<vmem>>
      %dma_start3A_101 = arith.constant 0 : i32
      %dma_start3A_102 = arith.constant 0 : i32
      %dma_start3A_103 = tpu.memref_slice %arg2[%dma_start3A_101, %dma_start3A_102] : memref<400000x128xf32, #tpu.memory_space<hbm>> -> memref<400000x128xf32, #tpu.memory_space<hbm>>
      tpu.enqueue_indirect_dma source(%dma_start3A_103 : memref<400000x128xf32, #tpu.memory_space<hbm>>) target(%arg9 : memref<128x128xf32, #tpu.memory_space<vmem>>) offsets(%dma_start3A_100 : memref<128xi32, #tpu.memory_space<vmem>>) semaphore(%arg12 : memref<!tpu.dma_semaphore, #tpu.memory_space<semaphore_mem>>)
      %dma_start3A_104 = arith.constant 0 : i32
      %dma_start3A_105 = tpu.memref_slice %arg7[%add3A_98, %dma_start3A_104] : memref<38x128xi32, #tpu.memory_space<vmem>> -> memref<1x128xi32, #tpu.memory_space<vmem>>
      %dma_start3A_106 = tpu.memref_squeeze %dma_start3A_105 : memref<1x128xi32, #tpu.memory_space<vmem>> -> memref<128xi32, #tpu.memory_space<vmem>>
      %dma_start3A_107 = arith.constant 0 : i32
      %dma_start3A_108 = arith.constant 0 : i32
      %dma_start3A_109 = tpu.memref_slice %arg2[%dma_start3A_107, %dma_start3A_108] : memref<400000x128xf32, #tpu.memory_space<hbm>> -> memref<400000x128xf32, #tpu.memory_space<hbm>>
      tpu.enqueue_indirect_dma source(%dma_start3A_109 : memref<400000x128xf32, #tpu.memory_space<hbm>>) target(%arg10 : memref<128x128xf32, #tpu.memory_space<vmem>>) offsets(%dma_start3A_106 : memref<128xi32, #tpu.memory_space<vmem>>) semaphore(%arg13 : memref<!tpu.dma_semaphore, #tpu.memory_space<semaphore_mem>>)
      %dma_wait3A = arith.constant 0 : i32
      %dma_wait3A_110 = tpu.memref_slice %arg7[%mul3A_97, %dma_wait3A] : memref<38x128xi32, #tpu.memory_space<vmem>> -> memref<1x128xi32, #tpu.memory_space<vmem>>
      %dma_wait3A_111 = tpu.memref_squeeze %dma_wait3A_110 : memref<1x128xi32, #tpu.memory_space<vmem>> -> memref<128xi32, #tpu.memory_space<vmem>>
      %dma_wait3A_112 = arith.constant 0 : i32
      %dma_wait3A_113 = arith.constant 0 : i32
      %dma_wait3A_114 = tpu.memref_slice %arg2[%dma_wait3A_112, %dma_wait3A_113] : memref<400000x128xf32, #tpu.memory_space<hbm>> -> memref<400000x128xf32, #tpu.memory_space<hbm>>
      tpu.wait_indirect_dma semaphore(%arg12 : memref<!tpu.dma_semaphore, #tpu.memory_space<semaphore_mem>>) src(%dma_wait3A_114 : memref<400000x128xf32, #tpu.memory_space<hbm>>) dst(%arg9 : memref<128x128xf32, #tpu.memory_space<vmem>>)
      "tpu.region"() ({
        %run_scoped3A_121 = tpu.sem_alloc : memref<!tpu.dma_semaphore, #tpu.memory_space<semaphore_mem>>
        %dma_start3A_122 = arith.constant 0 : i32
        %dma_start3A_123 = tpu.memref_slice %arg8[%mul3A_97, %dma_start3A_122] : memref<38x128xi32, #tpu.memory_space<vmem>> -> memref<1x128xi32, #tpu.memory_space<vmem>>
        %dma_start3A_124 = tpu.memref_squeeze %dma_start3A_123 : memref<1x128xi32, #tpu.memory_space<vmem>> -> memref<128xi32, #tpu.memory_space<vmem>>
        %dma_start3A_125 = arith.constant 0 : i32
        %dma_start3A_126 = arith.constant 0 : i32
        %dma_start3A_127 = tpu.memref_slice %arg11[%dma_start3A_125, %dma_start3A_126] : memref<10256x128xf32, #tpu.memory_space<vmem_shared>> -> memref<10256x128xf32, #tpu.memory_space<vmem_shared>>
        tpu.enqueue_indirect_dma source(%arg9 : memref<128x128xf32, #tpu.memory_space<vmem>>) target(%dma_start3A_127 : memref<10256x128xf32, #tpu.memory_space<vmem_shared>>) offsets(%dma_start3A_124 : memref<128xi32, #tpu.memory_space<vmem>>) semaphore(%run_scoped3A_121 : memref<!tpu.dma_semaphore, #tpu.memory_space<semaphore_mem>>) {add = true}
        %dma_wait3A_128 = arith.constant 0 : i32
        %dma_wait3A_129 = tpu.memref_slice %arg8[%mul3A_97, %dma_wait3A_128] : memref<38x128xi32, #tpu.memory_space<vmem>> -> memref<1x128xi32, #tpu.memory_space<vmem>>
        %dma_wait3A_130 = tpu.memref_squeeze %dma_wait3A_129 : memref<1x128xi32, #tpu.memory_space<vmem>> -> memref<128xi32, #tpu.memory_space<vmem>>
        %dma_wait3A_131 = arith.constant 0 : i32
        %dma_wait3A_132 = arith.constant 0 : i32
        %dma_wait3A_133 = tpu.memref_slice %arg11[%dma_wait3A_131, %dma_wait3A_132] : memref<10256x128xf32, #tpu.memory_space<vmem_shared>> -> memref<10256x128xf32, #tpu.memory_space<vmem_shared>>
        tpu.wait_indirect_dma semaphore(%run_scoped3A_121 : memref<!tpu.dma_semaphore, #tpu.memory_space<semaphore_mem>>) src(%arg9 : memref<128x128xf32, #tpu.memory_space<vmem>>) dst(%dma_wait3A_133 : memref<10256x128xf32, #tpu.memory_space<vmem_shared>>)
        tpu.yield
      }) : () -> ()
      %dma_wait3A_115 = arith.constant 0 : i32
      %dma_wait3A_116 = tpu.memref_slice %arg7[%add3A_98, %dma_wait3A_115] : memref<38x128xi32, #tpu.memory_space<vmem>> -> memref<1x128xi32, #tpu.memory_space<vmem>>
      %dma_wait3A_117 = tpu.memref_squeeze %dma_wait3A_116 : memref<1x128xi32, #tpu.memory_space<vmem>> -> memref<128xi32, #tpu.memory_space<vmem>>
      %dma_wait3A_118 = arith.constant 0 : i32
      %dma_wait3A_119 = arith.constant 0 : i32
      %dma_wait3A_120 = tpu.memref_slice %arg2[%dma_wait3A_118, %dma_wait3A_119] : memref<400000x128xf32, #tpu.memory_space<hbm>> -> memref<400000x128xf32, #tpu.memory_space<hbm>>
      tpu.wait_indirect_dma semaphore(%arg13 : memref<!tpu.dma_semaphore, #tpu.memory_space<semaphore_mem>>) src(%dma_wait3A_120 : memref<400000x128xf32, #tpu.memory_space<hbm>>) dst(%arg10 : memref<128x128xf32, #tpu.memory_space<vmem>>)
      "tpu.region"() ({
        %run_scoped3A_121 = tpu.sem_alloc : memref<!tpu.dma_semaphore, #tpu.memory_space<semaphore_mem>>
        %dma_start3A_122 = arith.constant 0 : i32
        %dma_start3A_123 = tpu.memref_slice %arg8[%add3A_98, %dma_start3A_122] : memref<38x128xi32, #tpu.memory_space<vmem>> -> memref<1x128xi32, #tpu.memory_space<vmem>>
        %dma_start3A_124 = tpu.memref_squeeze %dma_start3A_123 : memref<1x128xi32, #tpu.memory_space<vmem>> -> memref<128xi32, #tpu.memory_space<vmem>>
        %dma_start3A_125 = arith.constant 0 : i32
        %dma_start3A_126 = arith.constant 0 : i32
        %dma_start3A_127 = tpu.memref_slice %arg11[%dma_start3A_125, %dma_start3A_126] : memref<10256x128xf32, #tpu.memory_space<vmem_shared>> -> memref<10256x128xf32, #tpu.memory_space<vmem_shared>>
        tpu.enqueue_indirect_dma source(%arg10 : memref<128x128xf32, #tpu.memory_space<vmem>>) target(%dma_start3A_127 : memref<10256x128xf32, #tpu.memory_space<vmem_shared>>) offsets(%dma_start3A_124 : memref<128xi32, #tpu.memory_space<vmem>>) semaphore(%run_scoped3A_121 : memref<!tpu.dma_semaphore, #tpu.memory_space<semaphore_mem>>) {add = true}
        %dma_wait3A_128 = arith.constant 0 : i32
        %dma_wait3A_129 = tpu.memref_slice %arg8[%add3A_98, %dma_wait3A_128] : memref<38x128xi32, #tpu.memory_space<vmem>> -> memref<1x128xi32, #tpu.memory_space<vmem>>
        %dma_wait3A_130 = tpu.memref_squeeze %dma_wait3A_129 : memref<1x128xi32, #tpu.memory_space<vmem>> -> memref<128xi32, #tpu.memory_space<vmem>>
        %dma_wait3A_131 = arith.constant 0 : i32
        %dma_wait3A_132 = arith.constant 0 : i32
        %dma_wait3A_133 = tpu.memref_slice %arg11[%dma_wait3A_131, %dma_wait3A_132] : memref<10256x128xf32, #tpu.memory_space<vmem_shared>> -> memref<10256x128xf32, #tpu.memory_space<vmem_shared>>
        tpu.wait_indirect_dma semaphore(%run_scoped3A_121 : memref<!tpu.dma_semaphore, #tpu.memory_space<semaphore_mem>>) src(%arg10 : memref<128x128xf32, #tpu.memory_space<vmem>>) dst(%dma_wait3A_133 : memref<10256x128xf32, #tpu.memory_space<vmem_shared>>)
        tpu.yield
      }) : () -> ()
    }
    %scan3A_66 = arith.constant 19 : i32
    %barrier3A_67 = arith.constant 0 : index
    tpu.barrier barrier_id(%barrier3A_67)
    %run_scoped3A_68 = arith.constant 2 : i32
    "tpu.region"() ({
      %run_scoped3A_95 = tpu.sem_alloc : memref<!tpu.dma_semaphore, #tpu.memory_space<semaphore_mem>>
      %dma_start3A = arith.constant 0 : i32
      %dma_start3A_96 = tpu.memref_slice %arg6[%arg0, %run_scoped3A_68, %mul3A_0, %dma_start3A] : memref<2x4x10240x128xf32, #tpu.memory_space<hbm>> -> memref<1x1x640x128xf32, #tpu.memory_space<hbm>>
      %dma_start3A_97 = tpu.memref_squeeze %dma_start3A_96 : memref<1x1x640x128xf32, #tpu.memory_space<hbm>> -> memref<640x128xf32, #tpu.memory_space<hbm>>
      %dma_start3A_98 = arith.constant 0 : i32
      %dma_start3A_99 = tpu.memref_slice %arg11[%mul3A_0, %dma_start3A_98] : memref<10256x128xf32, #tpu.memory_space<vmem_shared>> -> memref<640x128xf32, #tpu.memory_space<vmem_shared>>
      tpu.enqueue_dma source(%dma_start3A_99 : memref<640x128xf32, #tpu.memory_space<vmem_shared>>) target(%dma_start3A_97 : memref<640x128xf32, #tpu.memory_space<hbm>>) target_semaphore(%run_scoped3A_95 : memref<!tpu.dma_semaphore, #tpu.memory_space<semaphore_mem>>)
      %dma_wait3A = arith.constant 0 : i32
      %dma_wait3A_100 = tpu.memref_slice %arg6[%arg0, %run_scoped3A_68, %mul3A_0, %dma_wait3A] : memref<2x4x10240x128xf32, #tpu.memory_space<hbm>> -> memref<1x1x640x128xf32, #tpu.memory_space<hbm>>
      %dma_wait3A_101 = tpu.memref_squeeze %dma_wait3A_100 : memref<1x1x640x128xf32, #tpu.memory_space<hbm>> -> memref<640x128xf32, #tpu.memory_space<hbm>>
      %dma_wait3A_102 = arith.constant 0 : i32
      %dma_wait3A_103 = tpu.memref_slice %arg11[%mul3A_0, %dma_wait3A_102] : memref<10256x128xf32, #tpu.memory_space<vmem_shared>> -> memref<640x128xf32, #tpu.memory_space<vmem_shared>>
      tpu.wait_dma2 semaphore(%run_scoped3A_95 : memref<!tpu.dma_semaphore, #tpu.memory_space<semaphore_mem>>) src(%dma_wait3A_103 : memref<640x128xf32, #tpu.memory_space<vmem_shared>>) dst(%dma_wait3A_101 : memref<640x128xf32, #tpu.memory_space<hbm>>)
      tpu.yield
    }) : () -> ()
    %barrier3A_69 = arith.constant 0 : index
    tpu.barrier barrier_id(%barrier3A_69)
    "tpu.region"() ({
      %run_scoped3A_95 = tpu.sem_alloc : memref<!tpu.dma_semaphore, #tpu.memory_space<semaphore_mem>>
      %dma_start3A = arith.constant 0 : i32
      %dma_start3A_96 = tpu.memref_slice %arg11[%mul3A_0, %dma_start3A] : memref<10256x128xf32, #tpu.memory_space<vmem_shared>> -> memref<640x128xf32, #tpu.memory_space<vmem_shared>>
      tpu.enqueue_dma source(%arg5 : memref<640x128xf32, #tpu.memory_space<hbm>>) target(%dma_start3A_96 : memref<640x128xf32, #tpu.memory_space<vmem_shared>>) target_semaphore(%run_scoped3A_95 : memref<!tpu.dma_semaphore, #tpu.memory_space<semaphore_mem>>)
      %dma_wait3A = arith.constant 0 : i32
      %dma_wait3A_97 = tpu.memref_slice %arg11[%mul3A_0, %dma_wait3A] : memref<10256x128xf32, #tpu.memory_space<vmem_shared>> -> memref<640x128xf32, #tpu.memory_space<vmem_shared>>
      tpu.wait_dma2 semaphore(%run_scoped3A_95 : memref<!tpu.dma_semaphore, #tpu.memory_space<semaphore_mem>>) src(%arg5 : memref<640x128xf32, #tpu.memory_space<hbm>>) dst(%dma_wait3A_97 : memref<640x128xf32, #tpu.memory_space<vmem_shared>>)
      tpu.yield
    }) : () -> ()
    %eq3A_70 = arith.constant 15 : i32
    %eq3A_71 = arith.cmpi eq, %arg1, %eq3A_70 : i32
    %convert_element_type3A_72 = arith.extui %eq3A_71 : i1 to i32
    %cond3A_73 = arith.constant 0 : i32
    %cond3A_74 = arith.cmpi ne, %convert_element_type3A_72, %cond3A_73 : i32
    scf.if %cond3A_74 {
      "tpu.region"() ({
        %run_scoped3A_95 = tpu.sem_alloc : memref<!tpu.dma_semaphore, #tpu.memory_space<semaphore_mem>>
        %dma_start3A = arith.constant 10240 : i32
        %dma_start3A_96 = arith.constant 0 : i32
        %dma_start3A_97 = tpu.memref_slice %arg11[%dma_start3A, %dma_start3A_96] : memref<10256x128xf32, #tpu.memory_space<vmem_shared>> -> memref<16x128xf32, #tpu.memory_space<vmem_shared>>
        %dma_start3A_98 = arith.constant 0 : i32
        %dma_start3A_99 = arith.constant 0 : i32
        %dma_start3A_100 = tpu.memref_slice %arg5[%dma_start3A_98, %dma_start3A_99] : memref<640x128xf32, #tpu.memory_space<hbm>> -> memref<16x128xf32, #tpu.memory_space<hbm>>
        tpu.enqueue_dma source(%dma_start3A_100 : memref<16x128xf32, #tpu.memory_space<hbm>>) target(%dma_start3A_97 : memref<16x128xf32, #tpu.memory_space<vmem_shared>>) target_semaphore(%run_scoped3A_95 : memref<!tpu.dma_semaphore, #tpu.memory_space<semaphore_mem>>)
        %dma_wait3A = arith.constant 10240 : i32
        %dma_wait3A_101 = arith.constant 0 : i32
        %dma_wait3A_102 = tpu.memref_slice %arg11[%dma_wait3A, %dma_wait3A_101] : memref<10256x128xf32, #tpu.memory_space<vmem_shared>> -> memref<16x128xf32, #tpu.memory_space<vmem_shared>>
        %dma_wait3A_103 = arith.constant 0 : i32
        %dma_wait3A_104 = arith.constant 0 : i32
        %dma_wait3A_105 = tpu.memref_slice %arg5[%dma_wait3A_103, %dma_wait3A_104] : memref<640x128xf32, #tpu.memory_space<hbm>> -> memref<16x128xf32, #tpu.memory_space<hbm>>
        tpu.wait_dma2 semaphore(%run_scoped3A_95 : memref<!tpu.dma_semaphore, #tpu.memory_space<semaphore_mem>>) src(%dma_wait3A_105 : memref<16x128xf32, #tpu.memory_space<hbm>>) dst(%dma_wait3A_102 : memref<16x128xf32, #tpu.memory_space<vmem_shared>>)
        tpu.yield
      }) : () -> ()
    } else {
    }
    %barrier3A_75 = arith.constant 0 : index
    tpu.barrier barrier_id(%barrier3A_75)
    %run_scoped3A_76 = arith.constant 3 : i32
    %run_scoped3A_77 = arith.constant 0 : i32
    "tpu.region"() ({
      %run_scoped3A_95 = tpu.sem_alloc : memref<!tpu.dma_semaphore, #tpu.memory_space<semaphore_mem>>
      %dma_start3A = arith.constant 0 : i32
      %dma_start3A_96 = arith.constant 0 : i32
      %dma_start3A_97 = tpu.memref_slice %arg3[%run_scoped3A_76, %arg0, %arg1, %run_scoped3A_77, %dma_start3A, %dma_start3A_96] : memref<4x2x16x2x38x128xi32, #tpu.memory_space<hbm>> -> memref<1x1x1x1x38x128xi32, #tpu.memory_space<hbm>>
      %dma_start3A_98 = tpu.memref_squeeze %dma_start3A_97 : memref<1x1x1x1x38x128xi32, #tpu.memory_space<hbm>> -> memref<38x128xi32, #tpu.memory_space<hbm>>
      %dma_start3A_99 = arith.constant 0 : i32
      %dma_start3A_100 = arith.constant 0 : i32
      %dma_start3A_101 = tpu.memref_slice %arg3[%run_scoped3A_76, %arg0, %arg1, %run_scoped3A_77, %dma_start3A_99, %dma_start3A_100] : memref<4x2x16x2x38x128xi32, #tpu.memory_space<hbm>> -> memref<1x1x1x1x38x128xi32, #tpu.memory_space<hbm>>
      %dma_start3A_102 = tpu.memref_squeeze %dma_start3A_101 : memref<1x1x1x1x38x128xi32, #tpu.memory_space<hbm>> -> memref<38x128xi32, #tpu.memory_space<hbm>>
      tpu.enqueue_dma source(%dma_start3A_102 : memref<38x128xi32, #tpu.memory_space<hbm>>) target(%arg7 : memref<38x128xi32, #tpu.memory_space<vmem>>) target_semaphore(%run_scoped3A_95 : memref<!tpu.dma_semaphore, #tpu.memory_space<semaphore_mem>>)
      %dma_wait3A = arith.constant 0 : i32
      %dma_wait3A_103 = arith.constant 0 : i32
      %dma_wait3A_104 = tpu.memref_slice %arg3[%run_scoped3A_76, %arg0, %arg1, %run_scoped3A_77, %dma_wait3A, %dma_wait3A_103] : memref<4x2x16x2x38x128xi32, #tpu.memory_space<hbm>> -> memref<1x1x1x1x38x128xi32, #tpu.memory_space<hbm>>
      %dma_wait3A_105 = tpu.memref_squeeze %dma_wait3A_104 : memref<1x1x1x1x38x128xi32, #tpu.memory_space<hbm>> -> memref<38x128xi32, #tpu.memory_space<hbm>>
      %dma_wait3A_106 = arith.constant 0 : i32
      %dma_wait3A_107 = arith.constant 0 : i32
      %dma_wait3A_108 = tpu.memref_slice %arg3[%run_scoped3A_76, %arg0, %arg1, %run_scoped3A_77, %dma_wait3A_106, %dma_wait3A_107] : memref<4x2x16x2x38x128xi32, #tpu.memory_space<hbm>> -> memref<1x1x1x1x38x128xi32, #tpu.memory_space<hbm>>
      %dma_wait3A_109 = tpu.memref_squeeze %dma_wait3A_108 : memref<1x1x1x1x38x128xi32, #tpu.memory_space<hbm>> -> memref<38x128xi32, #tpu.memory_space<hbm>>
      tpu.wait_dma2 semaphore(%run_scoped3A_95 : memref<!tpu.dma_semaphore, #tpu.memory_space<semaphore_mem>>) src(%dma_wait3A_109 : memref<38x128xi32, #tpu.memory_space<hbm>>) dst(%arg7 : memref<38x128xi32, #tpu.memory_space<vmem>>)
      tpu.yield
    }) : () -> ()
    %run_scoped3A_78 = arith.constant 0 : i32
    "tpu.region"() ({
      %run_scoped3A_95 = tpu.sem_alloc : memref<!tpu.dma_semaphore, #tpu.memory_space<semaphore_mem>>
      %dma_start3A = arith.constant 0 : i32
      %dma_start3A_96 = arith.constant 0 : i32
      %dma_start3A_97 = tpu.memref_slice %arg4[%arg0, %arg1, %run_scoped3A_78, %dma_start3A, %dma_start3A_96] : memref<2x16x2x38x128xi32, #tpu.memory_space<hbm>> -> memref<1x1x1x38x128xi32, #tpu.memory_space<hbm>>
      %dma_start3A_98 = tpu.memref_squeeze %dma_start3A_97 : memref<1x1x1x38x128xi32, #tpu.memory_space<hbm>> -> memref<38x128xi32, #tpu.memory_space<hbm>>
      %dma_start3A_99 = arith.constant 0 : i32
      %dma_start3A_100 = arith.constant 0 : i32
      %dma_start3A_101 = tpu.memref_slice %arg4[%arg0, %arg1, %run_scoped3A_78, %dma_start3A_99, %dma_start3A_100] : memref<2x16x2x38x128xi32, #tpu.memory_space<hbm>> -> memref<1x1x1x38x128xi32, #tpu.memory_space<hbm>>
      %dma_start3A_102 = tpu.memref_squeeze %dma_start3A_101 : memref<1x1x1x38x128xi32, #tpu.memory_space<hbm>> -> memref<38x128xi32, #tpu.memory_space<hbm>>
      tpu.enqueue_dma source(%dma_start3A_102 : memref<38x128xi32, #tpu.memory_space<hbm>>) target(%arg8 : memref<38x128xi32, #tpu.memory_space<vmem>>) target_semaphore(%run_scoped3A_95 : memref<!tpu.dma_semaphore, #tpu.memory_space<semaphore_mem>>)
      %dma_wait3A = arith.constant 0 : i32
      %dma_wait3A_103 = arith.constant 0 : i32
      %dma_wait3A_104 = tpu.memref_slice %arg4[%arg0, %arg1, %run_scoped3A_78, %dma_wait3A, %dma_wait3A_103] : memref<2x16x2x38x128xi32, #tpu.memory_space<hbm>> -> memref<1x1x1x38x128xi32, #tpu.memory_space<hbm>>
      %dma_wait3A_105 = tpu.memref_squeeze %dma_wait3A_104 : memref<1x1x1x38x128xi32, #tpu.memory_space<hbm>> -> memref<38x128xi32, #tpu.memory_space<hbm>>
      %dma_wait3A_106 = arith.constant 0 : i32
      %dma_wait3A_107 = arith.constant 0 : i32
      %dma_wait3A_108 = tpu.memref_slice %arg4[%arg0, %arg1, %run_scoped3A_78, %dma_wait3A_106, %dma_wait3A_107] : memref<2x16x2x38x128xi32, #tpu.memory_space<hbm>> -> memref<1x1x1x38x128xi32, #tpu.memory_space<hbm>>
      %dma_wait3A_109 = tpu.memref_squeeze %dma_wait3A_108 : memref<1x1x1x38x128xi32, #tpu.memory_space<hbm>> -> memref<38x128xi32, #tpu.memory_space<hbm>>
      tpu.wait_dma2 semaphore(%run_scoped3A_95 : memref<!tpu.dma_semaphore, #tpu.memory_space<semaphore_mem>>) src(%dma_wait3A_109 : memref<38x128xi32, #tpu.memory_space<hbm>>) dst(%arg8 : memref<38x128xi32, #tpu.memory_space<vmem>>)
      tpu.yield
    }) : () -> ()
    %scan3A_79 = arith.constant 0 : i32
    %scan3A_80 = arith.constant 19 : i32
    %scan3A_81 = arith.addi %scan3A_79, %scan3A_80 : i32
    %scan3A_82 = arith.constant 1 : i32
    scf.for %scan3A_95 = %scan3A_79 to %scan3A_81 step %scan3A_82  : i32 {
      %mul3A_96 = arith.constant 2 : i32
      %mul3A_97 = arith.muli %mul3A_96, %scan3A_95 : i32
      %add3A = arith.constant 1 : i32
      %add3A_98 = arith.addi %mul3A_97, %add3A : i32
      %dma_start3A = arith.constant 0 : i32
      %dma_start3A_99 = tpu.memref_slice %arg7[%mul3A_97, %dma_start3A] : memref<38x128xi32, #tpu.memory_space<vmem>> -> memref<1x128xi32, #tpu.memory_space<vmem>>
      %dma_start3A_100 = tpu.memref_squeeze %dma_start3A_99 : memref<1x128xi32, #tpu.memory_space<vmem>> -> memref<128xi32, #tpu.memory_space<vmem>>
      %dma_start3A_101 = arith.constant 0 : i32
      %dma_start3A_102 = arith.constant 0 : i32
      %dma_start3A_103 = tpu.memref_slice %arg2[%dma_start3A_101, %dma_start3A_102] : memref<400000x128xf32, #tpu.memory_space<hbm>> -> memref<400000x128xf32, #tpu.memory_space<hbm>>
      tpu.enqueue_indirect_dma source(%dma_start3A_103 : memref<400000x128xf32, #tpu.memory_space<hbm>>) target(%arg9 : memref<128x128xf32, #tpu.memory_space<vmem>>) offsets(%dma_start3A_100 : memref<128xi32, #tpu.memory_space<vmem>>) semaphore(%arg12 : memref<!tpu.dma_semaphore, #tpu.memory_space<semaphore_mem>>)
      %dma_start3A_104 = arith.constant 0 : i32
      %dma_start3A_105 = tpu.memref_slice %arg7[%add3A_98, %dma_start3A_104] : memref<38x128xi32, #tpu.memory_space<vmem>> -> memref<1x128xi32, #tpu.memory_space<vmem>>
      %dma_start3A_106 = tpu.memref_squeeze %dma_start3A_105 : memref<1x128xi32, #tpu.memory_space<vmem>> -> memref<128xi32, #tpu.memory_space<vmem>>
      %dma_start3A_107 = arith.constant 0 : i32
      %dma_start3A_108 = arith.constant 0 : i32
      %dma_start3A_109 = tpu.memref_slice %arg2[%dma_start3A_107, %dma_start3A_108] : memref<400000x128xf32, #tpu.memory_space<hbm>> -> memref<400000x128xf32, #tpu.memory_space<hbm>>
      tpu.enqueue_indirect_dma source(%dma_start3A_109 : memref<400000x128xf32, #tpu.memory_space<hbm>>) target(%arg10 : memref<128x128xf32, #tpu.memory_space<vmem>>) offsets(%dma_start3A_106 : memref<128xi32, #tpu.memory_space<vmem>>) semaphore(%arg13 : memref<!tpu.dma_semaphore, #tpu.memory_space<semaphore_mem>>)
      %dma_wait3A = arith.constant 0 : i32
      %dma_wait3A_110 = tpu.memref_slice %arg7[%mul3A_97, %dma_wait3A] : memref<38x128xi32, #tpu.memory_space<vmem>> -> memref<1x128xi32, #tpu.memory_space<vmem>>
      %dma_wait3A_111 = tpu.memref_squeeze %dma_wait3A_110 : memref<1x128xi32, #tpu.memory_space<vmem>> -> memref<128xi32, #tpu.memory_space<vmem>>
      %dma_wait3A_112 = arith.constant 0 : i32
      %dma_wait3A_113 = arith.constant 0 : i32
      %dma_wait3A_114 = tpu.memref_slice %arg2[%dma_wait3A_112, %dma_wait3A_113] : memref<400000x128xf32, #tpu.memory_space<hbm>> -> memref<400000x128xf32, #tpu.memory_space<hbm>>
      tpu.wait_indirect_dma semaphore(%arg12 : memref<!tpu.dma_semaphore, #tpu.memory_space<semaphore_mem>>) src(%dma_wait3A_114 : memref<400000x128xf32, #tpu.memory_space<hbm>>) dst(%arg9 : memref<128x128xf32, #tpu.memory_space<vmem>>)
      "tpu.region"() ({
        %run_scoped3A_121 = tpu.sem_alloc : memref<!tpu.dma_semaphore, #tpu.memory_space<semaphore_mem>>
        %dma_start3A_122 = arith.constant 0 : i32
        %dma_start3A_123 = tpu.memref_slice %arg8[%mul3A_97, %dma_start3A_122] : memref<38x128xi32, #tpu.memory_space<vmem>> -> memref<1x128xi32, #tpu.memory_space<vmem>>
        %dma_start3A_124 = tpu.memref_squeeze %dma_start3A_123 : memref<1x128xi32, #tpu.memory_space<vmem>> -> memref<128xi32, #tpu.memory_space<vmem>>
        %dma_start3A_125 = arith.constant 0 : i32
        %dma_start3A_126 = arith.constant 0 : i32
        %dma_start3A_127 = tpu.memref_slice %arg11[%dma_start3A_125, %dma_start3A_126] : memref<10256x128xf32, #tpu.memory_space<vmem_shared>> -> memref<10256x128xf32, #tpu.memory_space<vmem_shared>>
        tpu.enqueue_indirect_dma source(%arg9 : memref<128x128xf32, #tpu.memory_space<vmem>>) target(%dma_start3A_127 : memref<10256x128xf32, #tpu.memory_space<vmem_shared>>) offsets(%dma_start3A_124 : memref<128xi32, #tpu.memory_space<vmem>>) semaphore(%run_scoped3A_121 : memref<!tpu.dma_semaphore, #tpu.memory_space<semaphore_mem>>) {add = true}
        %dma_wait3A_128 = arith.constant 0 : i32
        %dma_wait3A_129 = tpu.memref_slice %arg8[%mul3A_97, %dma_wait3A_128] : memref<38x128xi32, #tpu.memory_space<vmem>> -> memref<1x128xi32, #tpu.memory_space<vmem>>
        %dma_wait3A_130 = tpu.memref_squeeze %dma_wait3A_129 : memref<1x128xi32, #tpu.memory_space<vmem>> -> memref<128xi32, #tpu.memory_space<vmem>>
        %dma_wait3A_131 = arith.constant 0 : i32
        %dma_wait3A_132 = arith.constant 0 : i32
        %dma_wait3A_133 = tpu.memref_slice %arg11[%dma_wait3A_131, %dma_wait3A_132] : memref<10256x128xf32, #tpu.memory_space<vmem_shared>> -> memref<10256x128xf32, #tpu.memory_space<vmem_shared>>
        tpu.wait_indirect_dma semaphore(%run_scoped3A_121 : memref<!tpu.dma_semaphore, #tpu.memory_space<semaphore_mem>>) src(%arg9 : memref<128x128xf32, #tpu.memory_space<vmem>>) dst(%dma_wait3A_133 : memref<10256x128xf32, #tpu.memory_space<vmem_shared>>)
        tpu.yield
      }) : () -> ()
      %dma_wait3A_115 = arith.constant 0 : i32
      %dma_wait3A_116 = tpu.memref_slice %arg7[%add3A_98, %dma_wait3A_115] : memref<38x128xi32, #tpu.memory_space<vmem>> -> memref<1x128xi32, #tpu.memory_space<vmem>>
      %dma_wait3A_117 = tpu.memref_squeeze %dma_wait3A_116 : memref<1x128xi32, #tpu.memory_space<vmem>> -> memref<128xi32, #tpu.memory_space<vmem>>
      %dma_wait3A_118 = arith.constant 0 : i32
      %dma_wait3A_119 = arith.constant 0 : i32
      %dma_wait3A_120 = tpu.memref_slice %arg2[%dma_wait3A_118, %dma_wait3A_119] : memref<400000x128xf32, #tpu.memory_space<hbm>> -> memref<400000x128xf32, #tpu.memory_space<hbm>>
      tpu.wait_indirect_dma semaphore(%arg13 : memref<!tpu.dma_semaphore, #tpu.memory_space<semaphore_mem>>) src(%dma_wait3A_120 : memref<400000x128xf32, #tpu.memory_space<hbm>>) dst(%arg10 : memref<128x128xf32, #tpu.memory_space<vmem>>)
      "tpu.region"() ({
        %run_scoped3A_121 = tpu.sem_alloc : memref<!tpu.dma_semaphore, #tpu.memory_space<semaphore_mem>>
        %dma_start3A_122 = arith.constant 0 : i32
        %dma_start3A_123 = tpu.memref_slice %arg8[%add3A_98, %dma_start3A_122] : memref<38x128xi32, #tpu.memory_space<vmem>> -> memref<1x128xi32, #tpu.memory_space<vmem>>
        %dma_start3A_124 = tpu.memref_squeeze %dma_start3A_123 : memref<1x128xi32, #tpu.memory_space<vmem>> -> memref<128xi32, #tpu.memory_space<vmem>>
        %dma_start3A_125 = arith.constant 0 : i32
        %dma_start3A_126 = arith.constant 0 : i32
        %dma_start3A_127 = tpu.memref_slice %arg11[%dma_start3A_125, %dma_start3A_126] : memref<10256x128xf32, #tpu.memory_space<vmem_shared>> -> memref<10256x128xf32, #tpu.memory_space<vmem_shared>>
        tpu.enqueue_indirect_dma source(%arg10 : memref<128x128xf32, #tpu.memory_space<vmem>>) target(%dma_start3A_127 : memref<10256x128xf32, #tpu.memory_space<vmem_shared>>) offsets(%dma_start3A_124 : memref<128xi32, #tpu.memory_space<vmem>>) semaphore(%run_scoped3A_121 : memref<!tpu.dma_semaphore, #tpu.memory_space<semaphore_mem>>) {add = true}
        %dma_wait3A_128 = arith.constant 0 : i32
        %dma_wait3A_129 = tpu.memref_slice %arg8[%add3A_98, %dma_wait3A_128] : memref<38x128xi32, #tpu.memory_space<vmem>> -> memref<1x128xi32, #tpu.memory_space<vmem>>
        %dma_wait3A_130 = tpu.memref_squeeze %dma_wait3A_129 : memref<1x128xi32, #tpu.memory_space<vmem>> -> memref<128xi32, #tpu.memory_space<vmem>>
        %dma_wait3A_131 = arith.constant 0 : i32
        %dma_wait3A_132 = arith.constant 0 : i32
        %dma_wait3A_133 = tpu.memref_slice %arg11[%dma_wait3A_131, %dma_wait3A_132] : memref<10256x128xf32, #tpu.memory_space<vmem_shared>> -> memref<10256x128xf32, #tpu.memory_space<vmem_shared>>
        tpu.wait_indirect_dma semaphore(%run_scoped3A_121 : memref<!tpu.dma_semaphore, #tpu.memory_space<semaphore_mem>>) src(%arg10 : memref<128x128xf32, #tpu.memory_space<vmem>>) dst(%dma_wait3A_133 : memref<10256x128xf32, #tpu.memory_space<vmem_shared>>)
        tpu.yield
      }) : () -> ()
    }
    %scan3A_83 = arith.constant 19 : i32
    %run_scoped3A_84 = arith.constant 3 : i32
    %run_scoped3A_85 = arith.constant 1 : i32
    "tpu.region"() ({
      %run_scoped3A_95 = tpu.sem_alloc : memref<!tpu.dma_semaphore, #tpu.memory_space<semaphore_mem>>
      %dma_start3A = arith.constant 0 : i32
      %dma_start3A_96 = arith.constant 0 : i32
      %dma_start3A_97 = tpu.memref_slice %arg3[%run_scoped3A_84, %arg0, %arg1, %run_scoped3A_85, %dma_start3A, %dma_start3A_96] : memref<4x2x16x2x38x128xi32, #tpu.memory_space<hbm>> -> memref<1x1x1x1x38x128xi32, #tpu.memory_space<hbm>>
      %dma_start3A_98 = tpu.memref_squeeze %dma_start3A_97 : memref<1x1x1x1x38x128xi32, #tpu.memory_space<hbm>> -> memref<38x128xi32, #tpu.memory_space<hbm>>
      %dma_start3A_99 = arith.constant 0 : i32
      %dma_start3A_100 = arith.constant 0 : i32
      %dma_start3A_101 = tpu.memref_slice %arg3[%run_scoped3A_84, %arg0, %arg1, %run_scoped3A_85, %dma_start3A_99, %dma_start3A_100] : memref<4x2x16x2x38x128xi32, #tpu.memory_space<hbm>> -> memref<1x1x1x1x38x128xi32, #tpu.memory_space<hbm>>
      %dma_start3A_102 = tpu.memref_squeeze %dma_start3A_101 : memref<1x1x1x1x38x128xi32, #tpu.memory_space<hbm>> -> memref<38x128xi32, #tpu.memory_space<hbm>>
      tpu.enqueue_dma source(%dma_start3A_102 : memref<38x128xi32, #tpu.memory_space<hbm>>) target(%arg7 : memref<38x128xi32, #tpu.memory_space<vmem>>) target_semaphore(%run_scoped3A_95 : memref<!tpu.dma_semaphore, #tpu.memory_space<semaphore_mem>>)
      %dma_wait3A = arith.constant 0 : i32
      %dma_wait3A_103 = arith.constant 0 : i32
      %dma_wait3A_104 = tpu.memref_slice %arg3[%run_scoped3A_84, %arg0, %arg1, %run_scoped3A_85, %dma_wait3A, %dma_wait3A_103] : memref<4x2x16x2x38x128xi32, #tpu.memory_space<hbm>> -> memref<1x1x1x1x38x128xi32, #tpu.memory_space<hbm>>
      %dma_wait3A_105 = tpu.memref_squeeze %dma_wait3A_104 : memref<1x1x1x1x38x128xi32, #tpu.memory_space<hbm>> -> memref<38x128xi32, #tpu.memory_space<hbm>>
      %dma_wait3A_106 = arith.constant 0 : i32
      %dma_wait3A_107 = arith.constant 0 : i32
      %dma_wait3A_108 = tpu.memref_slice %arg3[%run_scoped3A_84, %arg0, %arg1, %run_scoped3A_85, %dma_wait3A_106, %dma_wait3A_107] : memref<4x2x16x2x38x128xi32, #tpu.memory_space<hbm>> -> memref<1x1x1x1x38x128xi32, #tpu.memory_space<hbm>>
      %dma_wait3A_109 = tpu.memref_squeeze %dma_wait3A_108 : memref<1x1x1x1x38x128xi32, #tpu.memory_space<hbm>> -> memref<38x128xi32, #tpu.memory_space<hbm>>
      tpu.wait_dma2 semaphore(%run_scoped3A_95 : memref<!tpu.dma_semaphore, #tpu.memory_space<semaphore_mem>>) src(%dma_wait3A_109 : memref<38x128xi32, #tpu.memory_space<hbm>>) dst(%arg7 : memref<38x128xi32, #tpu.memory_space<vmem>>)
      tpu.yield
    }) : () -> ()
    %run_scoped3A_86 = arith.constant 1 : i32
    "tpu.region"() ({
      %run_scoped3A_95 = tpu.sem_alloc : memref<!tpu.dma_semaphore, #tpu.memory_space<semaphore_mem>>
      %dma_start3A = arith.constant 0 : i32
      %dma_start3A_96 = arith.constant 0 : i32
      %dma_start3A_97 = tpu.memref_slice %arg4[%arg0, %arg1, %run_scoped3A_86, %dma_start3A, %dma_start3A_96] : memref<2x16x2x38x128xi32, #tpu.memory_space<hbm>> -> memref<1x1x1x38x128xi32, #tpu.memory_space<hbm>>
      %dma_start3A_98 = tpu.memref_squeeze %dma_start3A_97 : memref<1x1x1x38x128xi32, #tpu.memory_space<hbm>> -> memref<38x128xi32, #tpu.memory_space<hbm>>
      %dma_start3A_99 = arith.constant 0 : i32
      %dma_start3A_100 = arith.constant 0 : i32
      %dma_start3A_101 = tpu.memref_slice %arg4[%arg0, %arg1, %run_scoped3A_86, %dma_start3A_99, %dma_start3A_100] : memref<2x16x2x38x128xi32, #tpu.memory_space<hbm>> -> memref<1x1x1x38x128xi32, #tpu.memory_space<hbm>>
      %dma_start3A_102 = tpu.memref_squeeze %dma_start3A_101 : memref<1x1x1x38x128xi32, #tpu.memory_space<hbm>> -> memref<38x128xi32, #tpu.memory_space<hbm>>
      tpu.enqueue_dma source(%dma_start3A_102 : memref<38x128xi32, #tpu.memory_space<hbm>>) target(%arg8 : memref<38x128xi32, #tpu.memory_space<vmem>>) target_semaphore(%run_scoped3A_95 : memref<!tpu.dma_semaphore, #tpu.memory_space<semaphore_mem>>)
      %dma_wait3A = arith.constant 0 : i32
      %dma_wait3A_103 = arith.constant 0 : i32
      %dma_wait3A_104 = tpu.memref_slice %arg4[%arg0, %arg1, %run_scoped3A_86, %dma_wait3A, %dma_wait3A_103] : memref<2x16x2x38x128xi32, #tpu.memory_space<hbm>> -> memref<1x1x1x38x128xi32, #tpu.memory_space<hbm>>
      %dma_wait3A_105 = tpu.memref_squeeze %dma_wait3A_104 : memref<1x1x1x38x128xi32, #tpu.memory_space<hbm>> -> memref<38x128xi32, #tpu.memory_space<hbm>>
      %dma_wait3A_106 = arith.constant 0 : i32
      %dma_wait3A_107 = arith.constant 0 : i32
      %dma_wait3A_108 = tpu.memref_slice %arg4[%arg0, %arg1, %run_scoped3A_86, %dma_wait3A_106, %dma_wait3A_107] : memref<2x16x2x38x128xi32, #tpu.memory_space<hbm>> -> memref<1x1x1x38x128xi32, #tpu.memory_space<hbm>>
      %dma_wait3A_109 = tpu.memref_squeeze %dma_wait3A_108 : memref<1x1x1x38x128xi32, #tpu.memory_space<hbm>> -> memref<38x128xi32, #tpu.memory_space<hbm>>
      tpu.wait_dma2 semaphore(%run_scoped3A_95 : memref<!tpu.dma_semaphore, #tpu.memory_space<semaphore_mem>>) src(%dma_wait3A_109 : memref<38x128xi32, #tpu.memory_space<hbm>>) dst(%arg8 : memref<38x128xi32, #tpu.memory_space<vmem>>)
      tpu.yield
    }) : () -> ()
    %scan3A_87 = arith.constant 0 : i32
    %scan3A_88 = arith.constant 19 : i32
    %scan3A_89 = arith.addi %scan3A_87, %scan3A_88 : i32
    %scan3A_90 = arith.constant 1 : i32
    scf.for %scan3A_95 = %scan3A_87 to %scan3A_89 step %scan3A_90  : i32 {
      %mul3A_96 = arith.constant 2 : i32
      %mul3A_97 = arith.muli %mul3A_96, %scan3A_95 : i32
      %add3A = arith.constant 1 : i32
      %add3A_98 = arith.addi %mul3A_97, %add3A : i32
      %dma_start3A = arith.constant 0 : i32
      %dma_start3A_99 = tpu.memref_slice %arg7[%mul3A_97, %dma_start3A] : memref<38x128xi32, #tpu.memory_space<vmem>> -> memref<1x128xi32, #tpu.memory_space<vmem>>
      %dma_start3A_100 = tpu.memref_squeeze %dma_start3A_99 : memref<1x128xi32, #tpu.memory_space<vmem>> -> memref<128xi32, #tpu.memory_space<vmem>>
      %dma_start3A_101 = arith.constant 0 : i32
      %dma_start3A_102 = arith.constant 0 : i32
      %dma_start3A_103 = tpu.memref_slice %arg2[%dma_start3A_101, %dma_start3A_102] : memref<400000x128xf32, #tpu.memory_space<hbm>> -> memref<400000x128xf32, #tpu.memory_space<hbm>>
      tpu.enqueue_indirect_dma source(%dma_start3A_103 : memref<400000x128xf32, #tpu.memory_space<hbm>>) target(%arg9 : memref<128x128xf32, #tpu.memory_space<vmem>>) offsets(%dma_start3A_100 : memref<128xi32, #tpu.memory_space<vmem>>) semaphore(%arg12 : memref<!tpu.dma_semaphore, #tpu.memory_space<semaphore_mem>>)
      %dma_start3A_104 = arith.constant 0 : i32
      %dma_start3A_105 = tpu.memref_slice %arg7[%add3A_98, %dma_start3A_104] : memref<38x128xi32, #tpu.memory_space<vmem>> -> memref<1x128xi32, #tpu.memory_space<vmem>>
      %dma_start3A_106 = tpu.memref_squeeze %dma_start3A_105 : memref<1x128xi32, #tpu.memory_space<vmem>> -> memref<128xi32, #tpu.memory_space<vmem>>
      %dma_start3A_107 = arith.constant 0 : i32
      %dma_start3A_108 = arith.constant 0 : i32
      %dma_start3A_109 = tpu.memref_slice %arg2[%dma_start3A_107, %dma_start3A_108] : memref<400000x128xf32, #tpu.memory_space<hbm>> -> memref<400000x128xf32, #tpu.memory_space<hbm>>
      tpu.enqueue_indirect_dma source(%dma_start3A_109 : memref<400000x128xf32, #tpu.memory_space<hbm>>) target(%arg10 : memref<128x128xf32, #tpu.memory_space<vmem>>) offsets(%dma_start3A_106 : memref<128xi32, #tpu.memory_space<vmem>>) semaphore(%arg13 : memref<!tpu.dma_semaphore, #tpu.memory_space<semaphore_mem>>)
      %dma_wait3A = arith.constant 0 : i32
      %dma_wait3A_110 = tpu.memref_slice %arg7[%mul3A_97, %dma_wait3A] : memref<38x128xi32, #tpu.memory_space<vmem>> -> memref<1x128xi32, #tpu.memory_space<vmem>>
      %dma_wait3A_111 = tpu.memref_squeeze %dma_wait3A_110 : memref<1x128xi32, #tpu.memory_space<vmem>> -> memref<128xi32, #tpu.memory_space<vmem>>
      %dma_wait3A_112 = arith.constant 0 : i32
      %dma_wait3A_113 = arith.constant 0 : i32
      %dma_wait3A_114 = tpu.memref_slice %arg2[%dma_wait3A_112, %dma_wait3A_113] : memref<400000x128xf32, #tpu.memory_space<hbm>> -> memref<400000x128xf32, #tpu.memory_space<hbm>>
      tpu.wait_indirect_dma semaphore(%arg12 : memref<!tpu.dma_semaphore, #tpu.memory_space<semaphore_mem>>) src(%dma_wait3A_114 : memref<400000x128xf32, #tpu.memory_space<hbm>>) dst(%arg9 : memref<128x128xf32, #tpu.memory_space<vmem>>)
      "tpu.region"() ({
        %run_scoped3A_121 = tpu.sem_alloc : memref<!tpu.dma_semaphore, #tpu.memory_space<semaphore_mem>>
        %dma_start3A_122 = arith.constant 0 : i32
        %dma_start3A_123 = tpu.memref_slice %arg8[%mul3A_97, %dma_start3A_122] : memref<38x128xi32, #tpu.memory_space<vmem>> -> memref<1x128xi32, #tpu.memory_space<vmem>>
        %dma_start3A_124 = tpu.memref_squeeze %dma_start3A_123 : memref<1x128xi32, #tpu.memory_space<vmem>> -> memref<128xi32, #tpu.memory_space<vmem>>
        %dma_start3A_125 = arith.constant 0 : i32
        %dma_start3A_126 = arith.constant 0 : i32
        %dma_start3A_127 = tpu.memref_slice %arg11[%dma_start3A_125, %dma_start3A_126] : memref<10256x128xf32, #tpu.memory_space<vmem_shared>> -> memref<10256x128xf32, #tpu.memory_space<vmem_shared>>
        tpu.enqueue_indirect_dma source(%arg9 : memref<128x128xf32, #tpu.memory_space<vmem>>) target(%dma_start3A_127 : memref<10256x128xf32, #tpu.memory_space<vmem_shared>>) offsets(%dma_start3A_124 : memref<128xi32, #tpu.memory_space<vmem>>) semaphore(%run_scoped3A_121 : memref<!tpu.dma_semaphore, #tpu.memory_space<semaphore_mem>>) {add = true}
        %dma_wait3A_128 = arith.constant 0 : i32
        %dma_wait3A_129 = tpu.memref_slice %arg8[%mul3A_97, %dma_wait3A_128] : memref<38x128xi32, #tpu.memory_space<vmem>> -> memref<1x128xi32, #tpu.memory_space<vmem>>
        %dma_wait3A_130 = tpu.memref_squeeze %dma_wait3A_129 : memref<1x128xi32, #tpu.memory_space<vmem>> -> memref<128xi32, #tpu.memory_space<vmem>>
        %dma_wait3A_131 = arith.constant 0 : i32
        %dma_wait3A_132 = arith.constant 0 : i32
        %dma_wait3A_133 = tpu.memref_slice %arg11[%dma_wait3A_131, %dma_wait3A_132] : memref<10256x128xf32, #tpu.memory_space<vmem_shared>> -> memref<10256x128xf32, #tpu.memory_space<vmem_shared>>
        tpu.wait_indirect_dma semaphore(%run_scoped3A_121 : memref<!tpu.dma_semaphore, #tpu.memory_space<semaphore_mem>>) src(%arg9 : memref<128x128xf32, #tpu.memory_space<vmem>>) dst(%dma_wait3A_133 : memref<10256x128xf32, #tpu.memory_space<vmem_shared>>)
        tpu.yield
      }) : () -> ()
      %dma_wait3A_115 = arith.constant 0 : i32
      %dma_wait3A_116 = tpu.memref_slice %arg7[%add3A_98, %dma_wait3A_115] : memref<38x128xi32, #tpu.memory_space<vmem>> -> memref<1x128xi32, #tpu.memory_space<vmem>>
      %dma_wait3A_117 = tpu.memref_squeeze %dma_wait3A_116 : memref<1x128xi32, #tpu.memory_space<vmem>> -> memref<128xi32, #tpu.memory_space<vmem>>
      %dma_wait3A_118 = arith.constant 0 : i32
      %dma_wait3A_119 = arith.constant 0 : i32
      %dma_wait3A_120 = tpu.memref_slice %arg2[%dma_wait3A_118, %dma_wait3A_119] : memref<400000x128xf32, #tpu.memory_space<hbm>> -> memref<400000x128xf32, #tpu.memory_space<hbm>>
      tpu.wait_indirect_dma semaphore(%arg13 : memref<!tpu.dma_semaphore, #tpu.memory_space<semaphore_mem>>) src(%dma_wait3A_120 : memref<400000x128xf32, #tpu.memory_space<hbm>>) dst(%arg10 : memref<128x128xf32, #tpu.memory_space<vmem>>)
      "tpu.region"() ({
        %run_scoped3A_121 = tpu.sem_alloc : memref<!tpu.dma_semaphore, #tpu.memory_space<semaphore_mem>>
        %dma_start3A_122 = arith.constant 0 : i32
        %dma_start3A_123 = tpu.memref_slice %arg8[%add3A_98, %dma_start3A_122] : memref<38x128xi32, #tpu.memory_space<vmem>> -> memref<1x128xi32, #tpu.memory_space<vmem>>
        %dma_start3A_124 = tpu.memref_squeeze %dma_start3A_123 : memref<1x128xi32, #tpu.memory_space<vmem>> -> memref<128xi32, #tpu.memory_space<vmem>>
        %dma_start3A_125 = arith.constant 0 : i32
        %dma_start3A_126 = arith.constant 0 : i32
        %dma_start3A_127 = tpu.memref_slice %arg11[%dma_start3A_125, %dma_start3A_126] : memref<10256x128xf32, #tpu.memory_space<vmem_shared>> -> memref<10256x128xf32, #tpu.memory_space<vmem_shared>>
        tpu.enqueue_indirect_dma source(%arg10 : memref<128x128xf32, #tpu.memory_space<vmem>>) target(%dma_start3A_127 : memref<10256x128xf32, #tpu.memory_space<vmem_shared>>) offsets(%dma_start3A_124 : memref<128xi32, #tpu.memory_space<vmem>>) semaphore(%run_scoped3A_121 : memref<!tpu.dma_semaphore, #tpu.memory_space<semaphore_mem>>) {add = true}
        %dma_wait3A_128 = arith.constant 0 : i32
        %dma_wait3A_129 = tpu.memref_slice %arg8[%add3A_98, %dma_wait3A_128] : memref<38x128xi32, #tpu.memory_space<vmem>> -> memref<1x128xi32, #tpu.memory_space<vmem>>
        %dma_wait3A_130 = tpu.memref_squeeze %dma_wait3A_129 : memref<1x128xi32, #tpu.memory_space<vmem>> -> memref<128xi32, #tpu.memory_space<vmem>>
        %dma_wait3A_131 = arith.constant 0 : i32
        %dma_wait3A_132 = arith.constant 0 : i32
        %dma_wait3A_133 = tpu.memref_slice %arg11[%dma_wait3A_131, %dma_wait3A_132] : memref<10256x128xf32, #tpu.memory_space<vmem_shared>> -> memref<10256x128xf32, #tpu.memory_space<vmem_shared>>
        tpu.wait_indirect_dma semaphore(%run_scoped3A_121 : memref<!tpu.dma_semaphore, #tpu.memory_space<semaphore_mem>>) src(%arg10 : memref<128x128xf32, #tpu.memory_space<vmem>>) dst(%dma_wait3A_133 : memref<10256x128xf32, #tpu.memory_space<vmem_shared>>)
        tpu.yield
      }) : () -> ()
    }
    %scan3A_91 = arith.constant 19 : i32
    %barrier3A_92 = arith.constant 0 : index
    tpu.barrier barrier_id(%barrier3A_92)
    %run_scoped3A_93 = arith.constant 3 : i32
    "tpu.region"() ({
      %run_scoped3A_95 = tpu.sem_alloc : memref<!tpu.dma_semaphore, #tpu.memory_space<semaphore_mem>>
      %dma_start3A = arith.constant 0 : i32
      %dma_start3A_96 = tpu.memref_slice %arg6[%arg0, %run_scoped3A_93, %mul3A_0, %dma_start3A] : memref<2x4x10240x128xf32, #tpu.memory_space<hbm>> -> memref<1x1x640x128xf32, #tpu.memory_space<hbm>>
      %dma_start3A_97 = tpu.memref_squeeze %dma_start3A_96 : memref<1x1x640x128xf32, #tpu.memory_space<hbm>> -> memref<640x128xf32, #tpu.memory_space<hbm>>
      %dma_start3A_98 = arith.constant 0 : i32
      %dma_start3A_99 = tpu.memref_slice %arg11[%mul3A_0, %dma_start3A_98] : memref<10256x128xf32, #tpu.memory_space<vmem_shared>> -> memref<640x128xf32, #tpu.memory_space<vmem_shared>>
      tpu.enqueue_dma source(%dma_start3A_99 : memref<640x128xf32, #tpu.memory_space<vmem_shared>>) target(%dma_start3A_97 : memref<640x128xf32, #tpu.memory_space<hbm>>) target_semaphore(%run_scoped3A_95 : memref<!tpu.dma_semaphore, #tpu.memory_space<semaphore_mem>>)
      %dma_wait3A = arith.constant 0 : i32
      %dma_wait3A_100 = tpu.memref_slice %arg6[%arg0, %run_scoped3A_93, %mul3A_0, %dma_wait3A] : memref<2x4x10240x128xf32, #tpu.memory_space<hbm>> -> memref<1x1x640x128xf32, #tpu.memory_space<hbm>>
      %dma_wait3A_101 = tpu.memref_squeeze %dma_wait3A_100 : memref<1x1x640x128xf32, #tpu.memory_space<hbm>> -> memref<640x128xf32, #tpu.memory_space<hbm>>
      %dma_wait3A_102 = arith.constant 0 : i32
      %dma_wait3A_103 = tpu.memref_slice %arg11[%mul3A_0, %dma_wait3A_102] : memref<10256x128xf32, #tpu.memory_space<vmem_shared>> -> memref<640x128xf32, #tpu.memory_space<vmem_shared>>
      tpu.wait_dma2 semaphore(%run_scoped3A_95 : memref<!tpu.dma_semaphore, #tpu.memory_space<semaphore_mem>>) src(%dma_wait3A_103 : memref<640x128xf32, #tpu.memory_space<vmem_shared>>) dst(%dma_wait3A_101 : memref<640x128xf32, #tpu.memory_space<hbm>>)
      tpu.yield
    }) : () -> ()
    %barrier3A_94 = arith.constant 0 : index
    tpu.barrier barrier_id(%barrier3A_94)
    return
  }
}

module attributes {stable_mosaic.version = 14 : i64} {
  func.func @_mm_body(%arg0: i32, %arg1: i32, %arg2: i32, %arg3: memref<2000x512xf32, #tpu.memory_space<vmem>>, %arg4: memref<1x512x128xf32, #tpu.memory_space<vmem>>, %arg5: memref<2000x128xf32, #tpu.memory_space<vmem>>) attributes {dimension_semantics = [#tpu.dimension_semantics<arbitrary>, #tpu.dimension_semantics<arbitrary>, #tpu.dimension_semantics<arbitrary>], iteration_bounds = array<i64: 10, 5, 4>, scalar_prefetch = 0 : i64, scratch_operands = 0 : i64, tpu.core_type = #tpu.core_type<tc>, window_params = [{transform_indices = @transform_0, window_bounds = array<i64: 2000, 512>}, {transform_indices = @transform_1, window_bounds = array<i64: 1, 512, 128>}, {transform_indices = @transform_2, window_bounds = array<i64: 2000, 128>}]} {
    %get3A = arith.constant 0 : index
    %get3A_0 = arith.constant 0 : index
    %get3A_1 = vector.load %arg3[%get3A, %get3A_0] : memref<2000x512xf32, #tpu.memory_space<vmem>>, vector<2000x512xf32>
    %get3A_2 = arith.constant 0 : index
    %get3A_3 = arith.constant 0 : index
    %get3A_4 = arith.constant 0 : index
    %get3A_5 = vector.load %arg4[%get3A_2, %get3A_3, %get3A_4] : memref<1x512x128xf32, #tpu.memory_space<vmem>>, vector<1x512x128xf32>
    %get3A_6 = vector.shape_cast %get3A_5 : vector<1x512x128xf32> to vector<512x128xf32>
    %dot_general3A = arith.constant dense<0.000000e+00> : vector<2000x128xf32>
    %dot_general3A_7 = tpu.matmul %get3A_1, %get3A_6, %dot_general3A {dimension_numbers = #tpu.dot_dimension_numbers<[1], [0], [0], [1], [0, 0, 1, 1], [], []>, transpose_lhs_hint = false} : vector<2000x512xf32>, vector<512x128xf32>, vector<2000x128xf32> -> vector<2000x128xf32>
    %swap3A = arith.constant 0 : index
    %swap3A_8 = arith.constant 0 : index
    %swap3A_9 = vector.load %arg5[%swap3A, %swap3A_8] : memref<2000x128xf32, #tpu.memory_space<vmem>>, vector<2000x128xf32>
    tpu.vector_store %arg5[%swap3A, %swap3A_8], %dot_general3A_7 {strides = array<i32>} : memref<2000x128xf32, #tpu.memory_space<vmem>>, vector<2000x128xf32>,
    return
  }
  func.func @transform_0(%arg0: i32, %arg1: i32, %arg2: i32) -> (i32, i32) {
    %c0_i32 = arith.constant 0 : i32
    %c0_i32_0 = arith.constant 0 : i32
    return %arg0, %c0_i32 : i32, i32
  }
  func.func @transform_1(%arg0: i32, %arg1: i32, %arg2: i32) -> (i32, i32, i32) {
    %c0_i32 = arith.constant 0 : i32
    %c0_i32_0 = arith.constant 0 : i32
    return %arg1, %c0_i32, %arg2 : i32, i32, i32
  }
  func.func @transform_2(%arg0: i32, %arg1: i32, %arg2: i32) -> (i32, i32) {
    %mul3A = arith.constant 50 : i32
    %mul3A_0 = arith.muli %arg2, %mul3A : i32
    %mul3A_1 = arith.constant 10 : i32
    %mul3A_2 = arith.muli %arg1, %mul3A_1 : i32
    %add3A = arith.addi %mul3A_0, %mul3A_2 : i32
    %add3A_3 = arith.addi %add3A, %arg0 : i32
    %c0_i32 = arith.constant 0 : i32
    %c0_i32_4 = arith.constant 0 : i32
    return %add3A_3, %c0_i32 : i32, i32
  }
}

module attributes {stable_mosaic.version = 14 : i64} {
  func.func @_scale_body(%arg0: i32, %arg1: i32, %arg2: memref<1x1x2000x128xf32, #tpu.memory_space<vmem>>, %arg3: memref<1x1x2000x128xf32, #tpu.memory_space<vmem>>, %arg4: memref<2000x1xf32, #tpu.memory_space<vmem>>, %arg5: memref<2000x1xf32, #tpu.memory_space<vmem>>, %arg6: memref<2000x128xf32, #tpu.memory_space<vmem>>, %arg7: memref<2000x128xf32, #tpu.memory_space<vmem>>) attributes {dimension_semantics = [#tpu.dimension_semantics<arbitrary>, #tpu.dimension_semantics<arbitrary>], iteration_bounds = array<i64: 5, 4>, scalar_prefetch = 0 : i64, scratch_operands = 0 : i64, tpu.core_type = #tpu.core_type<tc>, window_params = [{transform_indices = @transform_0, window_bounds = array<i64: 1, 1, 2000, 128>}, {transform_indices = @transform_1, window_bounds = array<i64: 1, 1, 2000, 128>}, {transform_indices = @transform_2, window_bounds = array<i64: 2000, 1>}, {transform_indices = @transform_3, window_bounds = array<i64: 2000, 1>}, {transform_indices = @transform_4, window_bounds = array<i64: 2000, 128>}, {transform_indices = @transform_5, window_bounds = array<i64: 2000, 128>}]} {
    %get3A = arith.constant 0 : index
    %get3A_0 = arith.constant 0 : index
    %get3A_1 = vector.load %arg5[%get3A, %get3A_0] : memref<2000x1xf32, #tpu.memory_space<vmem>>, vector<2000x1xf32>
    %get3A_2 = arith.constant 0 : index
    %get3A_3 = arith.constant 0 : index
    %get3A_4 = vector.load %arg4[%get3A_2, %get3A_3] : memref<2000x1xf32, #tpu.memory_space<vmem>>, vector<2000x1xf32>
    %get3A_5 = arith.constant 0 : index
    %get3A_6 = arith.constant 0 : index
    %get3A_7 = arith.constant 0 : index
    %get3A_8 = arith.constant 0 : index
    %get3A_9 = vector.load %arg2[%get3A_5, %get3A_6, %get3A_7, %get3A_8] : memref<1x1x2000x128xf32, #tpu.memory_space<vmem>>, vector<1x1x2000x128xf32>
    %get3A_10 = vector.shape_cast %get3A_9 : vector<1x1x2000x128xf32> to vector<2000x128xf32>
    %mul3A = arith.mulf %get3A_1, %get3A_1 : vector<2000x1xf32>
    %mul3A_11 = vector.broadcast %mul3A : vector<2000x1xf32> to vector<2000x128xf32>
    %mul3A_12 = arith.mulf %get3A_10, %mul3A_11 : vector<2000x128xf32>
    %swap3A = arith.constant 0 : index
    %swap3A_13 = arith.constant 0 : index
    %swap3A_14 = vector.load %arg7[%swap3A, %swap3A_13] : memref<2000x128xf32, #tpu.memory_space<vmem>>, vector<2000x128xf32>
    tpu.vector_store %arg7[%swap3A, %swap3A_13], %mul3A_12 {strides = array<i32>} : memref<2000x128xf32, #tpu.memory_space<vmem>>, vector<2000x128xf32>,
    %get3A_15 = arith.constant 0 : index
    %get3A_16 = arith.constant 0 : index
    %get3A_17 = arith.constant 0 : index
    %get3A_18 = arith.constant 0 : index
    %get3A_19 = vector.load %arg3[%get3A_15, %get3A_16, %get3A_17, %get3A_18] : memref<1x1x2000x128xf32, #tpu.memory_space<vmem>>, vector<1x1x2000x128xf32>
    %get3A_20 = vector.shape_cast %get3A_19 : vector<1x1x2000x128xf32> to vector<2000x128xf32>
    %mul3A_21 = arith.mulf %get3A_4, %get3A_4 : vector<2000x1xf32>
    %mul3A_22 = vector.broadcast %mul3A_21 : vector<2000x1xf32> to vector<2000x128xf32>
    %mul3A_23 = arith.mulf %get3A_20, %mul3A_22 : vector<2000x128xf32>
    %swap3A_24 = arith.constant 0 : index
    %swap3A_25 = arith.constant 0 : index
    %swap3A_26 = vector.load %arg6[%swap3A_24, %swap3A_25] : memref<2000x128xf32, #tpu.memory_space<vmem>>, vector<2000x128xf32>
    tpu.vector_store %arg6[%swap3A_24, %swap3A_25], %mul3A_23 {strides = array<i32>} : memref<2000x128xf32, #tpu.memory_space<vmem>>, vector<2000x128xf32>,
    return
  }
  func.func @transform_0(%arg0: i32, %arg1: i32) -> (i32, i32, i32, i32) {
    %c0_i32 = arith.constant 0 : i32
    %c0_i32_0 = arith.constant 0 : i32
    %c0_i32_1 = arith.constant 0 : i32
    return %c0_i32, %arg1, %arg0, %c0_i32_0 : i32, i32, i32, i32
  }
  func.func @transform_1(%arg0: i32, %arg1: i32) -> (i32, i32, i32, i32) {
    %c1_i32 = arith.constant 1 : i32
    %c0_i32 = arith.constant 0 : i32
    %c0_i32_0 = arith.constant 0 : i32
    return %c1_i32, %arg1, %arg0, %c0_i32 : i32, i32, i32, i32
  }
  func.func @transform_2(%arg0: i32, %arg1: i32) -> (i32, i32) {
    %c0_i32 = arith.constant 0 : i32
    %c0_i32_0 = arith.constant 0 : i32
    return %arg0, %c0_i32 : i32, i32
  }
  func.func @transform_3(%arg0: i32, %arg1: i32) -> (i32, i32) {
    %c0_i32 = arith.constant 0 : i32
    %c0_i32_0 = arith.constant 0 : i32
    return %arg0, %c0_i32 : i32, i32
  }
  func.func @transform_4(%arg0: i32, %arg1: i32) -> (i32, i32) {
    %c0_i32 = arith.constant 0 : i32
    return %arg0, %arg1 : i32, i32
  }
  func.func @transform_5(%arg0: i32, %arg1: i32) -> (i32, i32) {
    %c0_i32 = arith.constant 0 : i32
    return %arg0, %arg1 : i32, i32
  }
}

</mosaic_0001>

<sc_bundles>
// kernel: kernel.5.cloned.1.call-start
scs
__scs_entry_jumppad:
0x0: {  	(pc) =	sbr.rel $0x88, $3  }
0x1: {  	(tag) =	ssettag $0x0;
	lr =	simm.s32 $0x1  }
0x2: {  	[smem:$0x3F9A] =	sst lr;
	_ =	strace $0xD0000000  }
0x3: {  	_ = 	snop  }
0x4: {  	_ = 	snop  }
0x5: {  	_ = 	snop  }
0x6: {  	_ = 	snop  }
0x7: {  	_ = 	snop  }
__scs_overlays_trampoline_lowered:
0x8: {  	[smem:$0x3FA9] =	sst s0  }
0x9: {  	[smem:$0x3FAA] =	sst s1  }
0xa: {  	[smem:$0x3FAB] =	sst s2  }
0xb: {  	[smem:$0x3FAC] =	sst s3  }
0xc: {  	[smem:$0x3FAD] =	sst s4  }
0xd: {  	[smem:$0x3FAE] =	sst s5  }
0xe: {  	[smem:$0x3FAF] =	sst s6  }
0xf: {  	[smem:$0x3FB0] =	sst s7  }
0x10: {  	[smem:$0x3FB1] =	sst s8  }
0x11: {  	[smem:$0x3FB2] =	sst s9;
	s0 =	simm.s32 @!p0 $0x0  }
0x12: {  	s1 =	sld [smem:$0x3F98];
	s0 =	simm.s32 @p0 $0x1  }
0x13: {  	[smem:$0x3FB3] =	sst s0;
	s0 =	simm.s32 @!p1 $0x0  }
0x14: {  	s2 =	sld [smem:$0x3F97];
	s0 =	simm.s32 @p1 $0x1  }
0x15: {  	[smem:$0x3FB4] =	sst s0;
	s0 =	simm.s32 @!p2 $0x0  }
0x16: {  	s3 =	sld [smem:$0x3FDB];
	s0 =	simm.s32 @p2 $0x1  }
0x17: {  	s4 =	simm.s32 $0x1BF5;
	[smem:$0x3FB6] =	sst s0  }
0x18: {  	s0 =	sld [smem:$0x3F99];
	_ =	swait.ge [sflag:s4], $0x0  }
0x19: {  	s7 =	sld [smem:$0x3F9A]  }
0x1a: {  	s8 =	sadd.s32 $0xFFFFE003, lr  }
0x1b: {  	s9 =	sadd.s32 $0xFFFFFEF7, lr;
	s5 =	simm.s32 $0xFFFFFFFF;
	p2 =	slt.u32 s8, $0xFFFFF086  }
0x1c: {  	p1 =	slt.u32 s9, $0xF7A;
	s5 =	simm.s32 @!p2 $0x0  }
0x1d: {  	s5 =	simm.s32 @p1 $0x1;
	p0 =	seq.s32 s7, s2  }
0x1e: {  	s7 =	smul.u32 @!p0 $0xF7A, s2;
	p2 =	seq.s32 @!p0 s5, $0x0  }
0x1f: {  	s9 =	smul.u32 $0xF7A, s1;
	s8 =	simm.s32 @!p0 $0x1BF5;
	p2 =	por !p2, p0  }
0x20: {  	[sflag:s8] =	ssyncset.s32 @!p0 $0xFFFFF086;
	s6 =	sadd.s32 @!p0 s3, s7;
	s7 =	simm.s32 @!p0 $0x108  }
0x21: {  	s3 =	sadd.s32 s3, s9;
	s6 =	sadd.s32 @!p0 $0x88, s6;
	s7 =	simm.s32 @p2 $0x1082  }
0x22: {  	[simem:s7], [sflag:s8] =	dma.local @!p0 [hbm:s6], $0xF7A  }
0x23: {  	s9 =	sor.u32 $0xD0000000, s2;
	s6 =	simm.s32 $0x108;
	_ =	swait.ge @!p0 [sflag:s8], $0x0  }
0x24: {  	s3 =	sadd.s32 $0x88, s3;
	s6 =	simm.s32 @!p1 $0x1082;
	[sflag:s4] =	ssyncset.s32 $0xFFFFF086  }
0x25: {  	[simem:s6], [sflag:s4] =	dma.local [hbm:s3], $0xF7A  }
0x26: {  	[smem:$0x3F9A] =	sst s1;
	(tag) =	ssettag s2;
	_ =	strace s9  }
0x27: {  	s1 =	sld [smem:$0x3FAA]  }
0x28: {  	s2 =	sld [smem:$0x3FAB]  }
0x29: {  	s4 =	sld [smem:$0x3FAD]  }
0x2a: {  	p0 =	seq.s32 s5, $0x0;
	s5 =	sld [smem:$0x3FAE]  }
0x2b: {  	s6 =	sld [smem:$0x3FAF]  }
0x2c: {  	s7 =	sld [smem:$0x3FB0]  }
0x2d: {  	s3 =	simm.s32 $0x108;
	s8 =	sld [smem:$0x3FB1]  }
0x2e: {  	s3 =	simm.s32 @!p0 $0x1082;
	s9 =	sld [smem:$0x3FB2]  }
0x2f: {  	lr =	sadd.s32 s0, s3;
	s0 =	sld [smem:$0x3FA9]  }
0x30: {  	s3 =	sld [smem:$0x3FAC]  }
0x31: {  	[smem:$0x3FB5] =	sst s10  }
0x32: {  	s10 =	sld [smem:$0x3FB3];
	_ =	sdelay $0x3  }
0x33: {  	p0 =	seq.s32 s10, $0x1;
	s10 =	sld [smem:$0x3FB5];
	_ =	sdelay $0x3  }
0x34: {  	[smem:$0x3FB5] =	sst s10  }
0x35: {  	s10 =	sld [smem:$0x3FB4];
	_ =	sdelay $0x3  }
0x36: {  	p1 =	seq.s32 s10, $0x1;
	s10 =	sld [smem:$0x3FB5];
	_ =	sdelay $0x3  }
0x37: {  	[smem:$0x3FB5] =	sst s10  }
0x38: {  	s10 =	sld [smem:$0x3FB6]  }
0x39: {  	_ = 	snop;
	(pc) =	sbr.ind lr, $3  }
0x3a: {  	_ = 	snop  }
0x3b: {  	_ = 	snop  }
0x3c: {  	p2 =	seq.s32 s10, $0x1;
	s10 =	sld [smem:$0x3FB5]  }
0x3d: {  	_ =	shalt  }
0x3e: {  	_ =	shalt  }
0x3f: {  	_ =	shalt  }
0x40: {  	_ =	shalt  }
0x41: {  	_ =	shalt  }
0x42: {  	_ =	shalt  }
0x43: {  	_ =	shalt  }
0x44: {  	_ =	shalt  }
0x45: {  	_ =	shalt  }
0x46: {  	_ =	shalt  }
0x47: {  	_ =	shalt  }
0x48: {  	_ =	shalt  }
0x49: {  	_ =	shalt  }
0x4a: {  	_ =	shalt  }
0x4b: {  	_ =	shalt  }
0x4c: {  	_ =	shalt  }
0x4d: {  	_ =	shalt  }
0x4e: {  	_ =	shalt  }
0x4f: {  	_ =	shalt  }
0x50: {  	_ =	shalt  }
0x51: {  	_ =	shalt  }
0x52: {  	_ =	shalt  }
0x53: {  	_ =	shalt  }
0x54: {  	_ =	shalt  }
0x55: {  	_ =	shalt  }
0x56: {  	_ =	shalt  }
0x57: {  	_ =	shalt  }
0x58: {  	_ =	shalt  }
0x59: {  	_ =	shalt  }
0x5a: {  	_ =	shalt  }
0x5b: {  	_ =	shalt  }
0x5c: {  	_ =	shalt  }
0x5d: {  	_ =	shalt  }
0x5e: {  	_ =	shalt  }
0x5f: {  	_ =	shalt  }
0x60: {  	_ =	shalt  }
0x61: {  	_ =	shalt  }
0x62: {  	_ =	shalt  }
0x63: {  	_ =	shalt  }
0x64: {  	_ =	shalt  }
0x65: {  	_ =	shalt  }
0x66: {  	_ =	shalt  }
0x67: {  	_ =	shalt  }
0x68: {  	_ =	shalt  }
0x69: {  	_ =	shalt  }
0x6a: {  	_ =	shalt  }
0x6b: {  	_ =	shalt  }
0x6c: {  	_ =	shalt  }
0x6d: {  	_ =	shalt  }
0x6e: {  	_ =	shalt  }
0x6f: {  	_ =	shalt  }
0x70: {  	_ =	shalt  }
0x71: {  	_ =	shalt  }
0x72: {  	_ =	shalt  }
0x73: {  	_ =	shalt  }
0x74: {  	_ =	shalt  }
0x75: {  	_ =	shalt  }
0x76: {  	_ =	shalt  }
0x77: {  	_ =	shalt  }
0x78: {  	_ =	shalt  }
0x79: {  	_ =	shalt  }
0x7a: {  	_ =	shalt  }
0x7b: {  	_ =	shalt  }
0x7c: {  	_ =	shalt  }
0x7d: {  	_ =	shalt  }
0x7e: {  	_ =	shalt  }
0x7f: {  	_ =	shalt  }
0x80: {  	_ =	shalt  }
0x81: {  	_ =	shalt  }
0x82: {  	_ =	shalt  }
0x83: {  	_ =	shalt  }
0x84: {  	_ =	shalt  }
0x85: {  	_ =	shalt  }
0x86: {  	_ =	shalt  }
0x87: {  	_ =	shalt  }
.Lfunc_end0:
.L_simem_size_0:
called_computation_lowered:
.L_overlay_start_0:
0x88: {  	s2 =	sld [smem:$0x3FD9]  }
0x89: {  	s3 =	sld [smem:$0x3FFE];
	_ =	sdelay $0x1  }
0x8a: {  	s1 =	srdreg.scid  }
0x8b: {  	s0 =	sand.u32 $0x1, s1  }
0x8c: {  	s14 =	sshll.u32 s0, $0xA;
	s2 =	sadd.s32 s3, s2  }
0x8d: {  	s2 =	sadd.s32 s2, s14  }
0x8e: {  	[smem:$0x3FC1] =	sst s2  }
0x8f: {  	_ = 	snop  }
0x90: {  	s2 =	sld [smem:$0x3FD0];
	_ =	sdelay $0x2  }
0x91: {  	s15 =	simm.s32 $0xA;
	s4 =	simm.s32 $0x10  }
0x92: {  	[smem:s4], [sflag:s15] =	dma.local [hbm:s2], $0x1  }
0x93: {  	_ =	swait.eq [sflag:s15], $0x1  }
0x94: {  	[sflag:s15] =	ssyncset.done $0x0  }
0x95: {  	s16 =	sld [smem:$0x10];
	[sflag:s15] =	ssyncadd.s32 $0xFFFFFFFF  }
0x96: {  	s17 =	sld [smem:$0x11];
	(tm) =	ssettm $0x1  }
0x97: {  	s18 =	sld [smem:$0x3FFB];
	_ =	sdelay $0x3  }
0x98: {  	_ =	strace s18  }
0x99: {  	s4 =	sld [smem:$0x3FFC];
	_ =	sdelay $0x3  }
0x9a: {  	_ =	strace s4  }
0x9b: {  	s4 =	sld [smem:$0x3FFD];
	_ =	sdelay $0x3  }
0x9c: {  	_ =	strace s4  }
0x9d: {  	_ =	strace $0x8FFFFFFF  }
0x9e: {  	s19 =	sld [smem:$0x3FDB];
	_ =	sdelay $0x1  }
0x9f: {  	s5 =	simm.s32 $_scs_section_size  }
0xa0: {  	s6 =	simm.s32 $_size__tile_overlayer_lowered;
	s7 =	simm.s32 $_tile_overlayer_lowered  }
0xa1: {  	s22 =	simm.s32 $0x1BFF;
	s21 =	sshll.u32 s7, $0x1;
	s4 =	sadd.s32 s5, s19  }
0xa2: {  	s8 =	simm.s32 $0x0;
	s20 =	sshll.u32 s6, $0x1;
	s6 =	sadd.s32 s21, s4  }
0xa3: {  	[timem:s8], [sflag:s22] =	dma.local [hbm:s6], s20  }
0xa4: {  	_ =	swait.ge [sflag:s22], s20  }
0xa5: {  	s5 =	ssub.s32 $0x0, s20;
	[sflag:s22] =	ssyncset.done $0x0  }
0xa6: {  	[sflag:s22] =	ssyncadd.s32 s5;
	_ =	sdelay $0x1  }
0xa7: {  	s23 =	simm.s32 $0x1B8B  }
0xa8: {  	_ =	swait.ge [sflag:s23], $0x1  }
0xa9: {  	[sflag:s23] =	ssyncset.done $0x0  }
0xaa: {  	s25 =	simm.s32 $0x1B8E;
	s24 =	sld [smem:$0x3FFE];
	[sflag:s23] =	ssyncadd.s32 $0xFFFFFFFF  }
0xab: {  	s26 =	simm.s32 $execute0_lowered;
	[smem:$0x3FD2] =	sst s25  }
0xac: {  	s6 =	sshll.u32 s26, $0x1;
	_ =	strace $0x80000046;
	[dreg:$0x1] =	wrdreg $0xFFFFFFFF  }
0xad: {  	s28 =	simm.s32 $_size_execute0_lowered;
	s4 =	sadd.s32 s4, s6;
	[dreg:$0x0] =	wrdreg $0x0  }
0xae: {  	s6 =	sshll.u32 s28, $0x1;
	[dreg:$0x2] =	wrdreg s4  }
0xaf: {  	[dreg:$0x3] =	wrdreg s6  }
0xb0: {  	[dreg:$0x4] =	wrdreg $0xC0  }
0xb1: {  	_ =	task [dreg:s8], $0x5FFFF  }
0xb2: {  	[dreg:$0x1] =	wrdreg $0xFFFFFFFF  }
0xb3: {  	[dreg:$0x0] =	wrdreg $0x60  }
0xb4: {  	[dreg:$0x2] =	wrdreg s24  }
0xb5: {  	[dreg:$0x3] =	wrdreg s17  }
0xb6: {  	[dreg:$0x4] =	wrdreg s16  }
0xb7: {  	[dreg:$0x5] =	wrdreg $0xA8000  }
0xb8: {  	[dreg:$0x6] =	wrdreg $0x9  }
0xb9: {  	_ =	task.clear_ibuf [dreg:s8], $0x7FFFF;
	_ =	strace $0x90000046  }
0xba: {  	s29 =	simm.s32 $0x9;
	_ =	strace $0x80000048  }
0xbb: {  	_ =	swait.ge [sflag:s29], $0x1  }
0xbc: {  	[sflag:s29] =	ssyncadd.s32 $0xFFFFFFFF  }
0xbd: {  	_ =	strace $0x90000048  }
0xbe: {  	_ =	sfence  }
0xbf: {  	s30 =	sld [smem:$0x0];
	_ =	sdelay $0x2  }
0xc0: {  	s31 =	sshll.u32 s1, $0xD;
	s1 =	sshrl.u32 s1, $0x2  }
0xc1: {  	s3 =	sand.u32 $0x4000, s31;
	s1 =	sadd.s32 s1, s30  }
0xc2: {  	s0 =	sor.u32 s3, s0;
	s1 =	sshll.u32 s1, $0x11  }
0xc3: {  	s0 =	sor.u32 s1, s0  }
0xc4: {  	s0 =	sadd.s32 $0x8F2B, s0  }
0xc5: {  	[sflag:s0] =	ssyncadd.remote.s32 $0x1  }
0xc6: {  	_ =	sfence.sel $0xFFFF  }
0xc7: {  	[dreg:$0x0] =	wrdreg $0xFFFFFFFF;
	(pc) =	sbr.abs _section_cstart, $3  }
0xc8: {  	[dreg:$0x1] =	wrdreg $0xFFFFFFFF  }
0xc9: {  	_ =	task.clear_ibuf [dreg:s8], $0x2FFFF;
	_ =	strace $0x9FFFFFFF  }
0xca: {  	(tm) =	ssettm $0x7FFFFFFF  }
0xcb: {  	_ =	shalt  }
tec
execute0_lowered:
.L_overlay_start_1:
0x0: {  	(tag) =	ssettag $0x1  }
0x1: {  	s0 =	rddreg [dreg:$0x0]  }
0x2: {  	s2 =	rddreg [dreg:$0x1]  }
0x3: {  	s3 =	rddreg [dreg:$0x2]  }
0x4: {  	s1 =	rddreg [dreg:$0x3];
	s4 =	srdreg.scid  }
0x5: {  	s20 =	simm.s32 $0x0;
	s11 =	stileid.u32;
	s28 =	simm.s32 $0x2800  }
0x6: {  	s29 =	simm.s32 $0x6800;
	s30 =	simm.s32 $0x1;
	s7 =	smul.u32 $0x14000, s11  }
0x7: {  	s31 =	simm.s32 $0x2;
	s5 =	sand.u32 $0x1, s4;
	s8 =	smul.u32 $0x50000, s11  }
0x8: {  	[smem:$0x7FF] =	sst s20;
	s4 =	sadd.s32 $0x139C00, s0;
	s10 =	smul.u32 $0x2800, s11  }
0x9: {  	s23 =	sshll.u32 s11, $0x6;
	s24 =	sadd.s32 $0x140000, s1;
	s6 =	smul.u32 $0x500000, s5  }
0xa: {  	p0 =	sne.s32 s11, $0xF;
	_ =	strace $0x80000047;
	s21 =	smul.u32 $0x28000, s5  }
0xb: {  	s9 =	ssub.s32 $0x2, s5;
	s5 =	sadd.s32 $0x1400, s0;
	[dreg:$0x6] =	wrdreg s24  }
0xc: {  	s24 =	simm.s32 $0x3;
	s22 =	sshrl.u32 s9, $0x1;
	s8 =	sshrl.u32 s8, $0x2  }
0xd: {  	s6 =	sadd.s32 s7, s6;
	s7 =	sadd.s32 s10, s21;
	s8 =	sadd.s32 s8, s1  }
0xe: {  	s6 =	sshrl.u32 s6, $0x3;
	[dreg:$0x5] =	wrdreg s8;
	s10 =	sshrl.u32 s7, $0x3  }
0xf: {  	s7 =	sor.u32 $0x1C03, s23;
	s0 =	sadd.s32 s6, s0;
	s6 =	ssub.s32 s9, s22  }
0x10: {  	s25 =	sadd.s32 $0x280, s10;
	s9 =	sadd.s32 s2, s10;
	s10 =	sadd.s32 s3, s10  }
0x11: {  	s2 =	sadd.s32 s2, s25;
	s12 =	sadd.s32 s3, s25;
	s26 =	sadd.s32 $0x754400, s0  }
0x12: {  	s14 =	sadd.s32 $0xA000, s9;
	s15 =	sadd.s32 $0xA280, s9;
	s16 =	sadd.s32 $0x77C400, s0  }
0x13: {  	s17 =	sadd.s32 $0x14000, s9;
	s18 =	sadd.s32 $0x14280, s9;
	s19 =	sadd.s32 $0x7A4400, s0  }
0x14: {  	s20 =	sadd.s32 $0x1E000, s9;
	s21 =	sadd.s32 $0x1E280, s9;
	s22 =	sadd.s32 $0x7CC400, s0  }
0x15: {  	s23 =	smax.u32 s6, $0x1;
	s25 =	simm.s32 $0x1400;
	[dreg:$0x7] =	wrdreg s2  }
0x16: {  	s0 =	simm.s32 $0x0;
	[dreg:$0x8] =	wrdreg s26;
	s26 =	simm.s32 $0x80  }
.LBB2_1:
0x17: {  	s2 =	rddreg [dreg:$0x5]  }
0x18: {  	s2 =	sshrl.u32 s2, $0x3  }
0x19: {  	[spmem:s2], [sflag:s7] =	dma.local [hbm:s5], $0x2800  }
0x1a: {  	_ =	swait.ge [sflag:s24], $0x2800  }
0x1b: {  	[sflag:s24] =	ssyncset.done $0x0;
	s3 =	rddreg [dreg:$0x6]  }
0x1c: {  	s6 =	simm.s32 @!p0 $0x3;
	[sflag:s24] =	ssyncadd.s32 $0xFFFFD800;
	s3 =	sshrl.u32 @!p0 s3, $0x3  }
0x1d: {  	[spmem:s3], [sflag:s7] =	dma.local @!p0 [hbm:s5], $0x100  }
0x1e: {  	_ =	swait.ge @!p0 [sflag:s6], $0x100  }
0x1f: {  	[sflag:s6] =	ssyncset.done @!p0 $0x0  }
0x20: {  	[sflag:s6] =	ssyncadd.s32 @!p0 $0xFFFFFF00  }
0x21: {  	s11 =	simm.s32 $0x0;
	[bflag:$0x0] =	sbarrier.arrive $0xFFFF  }
0x22: {  	[tilespmem:s11], [sflag:$0x3] =	stream.linear.gather [hbm4b:s9+s11], $0x1300, $0x38;
	[tilespmem:$0x1E880] =	vst v63  }
0x23: {  	_ =	swait.ge [sflag:s24], $0x1300  }
0x24: {  	[sflag:s24] =	ssyncset.done $0x0  }
0x25: {  	[sflag:s24] =	ssyncadd.s32 $0xFFFFED00  }
0x26: {  	[tilespmem:s25], [sflag:$0x3] =	stream.linear.gather [hbm4b:s10+s11], $0x1300, $0x38;
	[tilespmem:$0x1E880] =	vst v63  }
0x27: {  	_ =	swait.ge [sflag:s24], $0x1300  }
0x28: {  	[sflag:s24] =	ssyncset.done $0x0  }
0x29: {  	s13 =	simm.s32 $0x0;
	[sflag:s24] =	ssyncadd.s32 $0xFFFFED00  }
0x2a: {  	[tilespmem:s28], [sflag:$0x1] =	stream.indirect.gather [hbm4b:s4+s26], $0x80, s13, s26, $0xb8;
	[tilespmem:$0x1E880] =	vst v63  }
0x2b: {  	s8 =	simm.s32 $0x80  }
0x2c: {  	[tilespmem:s29], [sflag:$0x2] =	stream.indirect.gather [hbm4b:s4+s26], $0x80, s8, s26, $0xb8;
	[tilespmem:$0x1E880] =	vst v63  }
0x2d: {  	_ =	swait.ge [sflag:s30], $0x4000  }
0x2e: {  	[sflag:s30] =	ssyncset.done $0x0  }
0x2f: {  	s11 =	simm.s32 $0x1400;
	[sflag:s30] =	ssyncadd.s32 $0xFFFFC000  }
0x30: {  	[spmem:s1] =	stream.indirect.scatter.add.f32 [tilespmem:s28], [sflag:$0x3], $0x80, s11, s26, $0xb8;
	[tilespmem:$0x1E880] =	vst v63  }
0x31: {  	_ =	swait.ge [sflag:s24], $0x4000  }
0x32: {  	[sflag:s24] =	ssyncset.done $0x0  }
0x33: {  	[sflag:s24] =	ssyncadd.s32 $0xFFFFC000  }
0x34: {  	_ =	swait.ge [sflag:s31], $0x4000  }
0x35: {  	[sflag:s31] =	ssyncset.done $0x0  }
0x36: {  	s13 =	simm.s32 $0x1480;
	[sflag:s31] =	ssyncadd.s32 $0xFFFFC000  }
0x37: {  	[spmem:s1] =	stream.indirect.scatter.add.f32 [tilespmem:s29], [sflag:$0x3], $0x80, s13, s26, $0xb8;
	[tilespmem:$0x1E880] =	vst v63  }
0x38: {  	_ =	swait.ge [sflag:s24], $0x4000  }
0x39: {  	s6 =	simm.s32 $0x400;
	s8 =	simm.s32 $0x800;
	[sflag:s24] =	ssyncset.done $0x0  }
.LBB2_2:
0x3a: {  	s11 =	sshra.s32 s6, $0x2  }
0x3b: {  	[sflag:s24] =	ssyncadd.s32 $0xFFFFC000;
	s6 =	smov.u32 s8;
	s13 =	sadd.s32 $0x400, s8  }
0x3c: {  	[tilespmem:s28], [sflag:$0x1] =	stream.indirect.gather [hbm4b:s4+s26], $0x80, s11, s26, $0xb8;
	[tilespmem:$0x1E880] =	vst v63  }
0x3d: {  	p1 =	sne.s32 s8, $0x4800;
	s8 =	sadd.s32 $0x80, s11  }
0x3e: {  	[tilespmem:s29], [sflag:$0x2] =	stream.indirect.gather [hbm4b:s4+s26], $0x80, s8, s26, $0xb8;
	[tilespmem:$0x1E880] =	vst v63  }
0x3f: {  	_ =	swait.ge [sflag:s30], $0x4000  }
0x40: {  	[sflag:s30] =	ssyncset.done $0x0  }
0x41: {  	s8 =	sadd.s32 $0x1400, s11;
	[sflag:s30] =	ssyncadd.s32 $0xFFFFC000  }
0x42: {  	[spmem:s1] =	stream.indirect.scatter.add.f32 [tilespmem:s28], [sflag:$0x3], $0x80, s8, s26, $0xb8;
	[tilespmem:$0x1E880] =	vst v63  }
0x43: {  	_ =	swait.ge [sflag:s24], $0x4000  }
0x44: {  	[sflag:s24] =	ssyncset.done $0x0  }
0x45: {  	[sflag:s24] =	ssyncadd.s32 $0xFFFFC000  }
0x46: {  	_ =	swait.ge [sflag:s31], $0x4000  }
.Ltmp0:
0x47: {  	[sflag:s31] =	ssyncset.done $0x0;
	(pc) =	sbr.rel @p1 .LBB2_2-.Ltmp0, $4  }
0x48: {  	s8 =	sadd.s32 $0x1480, s11;
	[sflag:s31] =	ssyncadd.s32 $0xFFFFC000  }
0x49: {  	[spmem:s1] =	stream.indirect.scatter.add.f32 [tilespmem:s29], [sflag:$0x3], $0x80, s8, s26, $0xb8;
	[tilespmem:$0x1E880] =	vst v63  }
0x4a: {  	_ =	swait.ge [sflag:s24], $0x4000  }
0x4b: {  	s8 =	smov.u32 s13;
	[sflag:s24] =	ssyncset.done $0x0  }
0x4c: {  	s6 =	sshra.s32 s6, $0x2;
	[sflag:s24] =	ssyncadd.s32 $0xFFFFC000  }
0x4d: {  	[tilespmem:s28], [sflag:$0x1] =	stream.indirect.gather [hbm4b:s4+s26], $0x80, s6, s26, $0xb8;
	[tilespmem:$0x1E880] =	vst v63  }
0x4e: {  	s8 =	sadd.s32 $0x80, s6  }
0x4f: {  	[tilespmem:s29], [sflag:$0x2] =	stream.indirect.gather [hbm4b:s4+s26], $0x80, s8, s26, $0xb8;
	[tilespmem:$0x1E880] =	vst v63  }
0x50: {  	_ =	swait.ge [sflag:s30], $0x4000  }
0x51: {  	[sflag:s30] =	ssyncset.done $0x0  }
0x52: {  	s11 =	sadd.s32 $0x1400, s6;
	[sflag:s30] =	ssyncadd.s32 $0xFFFFC000  }
0x53: {  	[spmem:s1] =	stream.indirect.scatter.add.f32 [tilespmem:s28], [sflag:$0x3], $0x80, s11, s26, $0xb8;
	[tilespmem:$0x1E880] =	vst v63  }
0x54: {  	_ =	swait.ge [sflag:s24], $0x4000  }
0x55: {  	[sflag:s24] =	ssyncset.done $0x0  }
0x56: {  	[sflag:s24] =	ssyncadd.s32 $0xFFFFC000  }
0x57: {  	_ =	swait.ge [sflag:s31], $0x4000  }
0x58: {  	[sflag:s31] =	ssyncset.done $0x0  }
0x59: {  	s6 =	sadd.s32 $0x1480, s6;
	[sflag:s31] =	ssyncadd.s32 $0xFFFFC000  }
0x5a: {  	[spmem:s1] =	stream.indirect.scatter.add.f32 [tilespmem:s29], [sflag:$0x3], $0x80, s6, s26, $0xb8;
	[tilespmem:$0x1E880] =	vst v63  }
0x5b: {  	_ =	swait.ge [sflag:s24], $0x4000  }
0x5c: {  	[sflag:s24] =	ssyncset.done $0x0  }
0x5d: {  	s13 =	simm.s32 $0x0;
	s11 =	rddreg [dreg:$0x7];
	[sflag:s24] =	ssyncadd.s32 $0xFFFFC000  }
0x5e: {  	[tilespmem:s13], [sflag:$0x3] =	stream.linear.gather [hbm4b:s11+s13], $0x1300, $0x38;
	[tilespmem:$0x1E880] =	vst v63  }
0x5f: {  	_ =	swait.ge [sflag:s24], $0x1300  }
0x60: {  	[sflag:s24] =	ssyncset.done $0x0  }
0x61: {  	[sflag:s24] =	ssyncadd.s32 $0xFFFFED00  }
0x62: {  	[tilespmem:s25], [sflag:$0x3] =	stream.linear.gather [hbm4b:s12+s13], $0x1300, $0x38;
	[tilespmem:$0x1E880] =	vst v63  }
0x63: {  	_ =	swait.ge [sflag:s24], $0x1300  }
0x64: {  	[sflag:s24] =	ssyncset.done $0x0  }
0x65: {  	s13 =	simm.s32 $0x0;
	[sflag:s24] =	ssyncadd.s32 $0xFFFFED00  }
0x66: {  	[tilespmem:s28], [sflag:$0x1] =	stream.indirect.gather [hbm4b:s4+s26], $0x80, s13, s26, $0xb8;
	[tilespmem:$0x1E880] =	vst v63  }
0x67: {  	s8 =	simm.s32 $0x80  }
0x68: {  	[tilespmem:s29], [sflag:$0x2] =	stream.indirect.gather [hbm4b:s4+s26], $0x80, s8, s26, $0xb8;
	[tilespmem:$0x1E880] =	vst v63  }
0x69: {  	_ =	swait.ge [sflag:s30], $0x4000  }
0x6a: {  	[sflag:s30] =	ssyncset.done $0x0  }
0x6b: {  	s11 =	simm.s32 $0x1400;
	[sflag:s30] =	ssyncadd.s32 $0xFFFFC000  }
0x6c: {  	[spmem:s1] =	stream.indirect.scatter.add.f32 [tilespmem:s28], [sflag:$0x3], $0x80, s11, s26, $0xb8;
	[tilespmem:$0x1E880] =	vst v63  }
0x6d: {  	_ =	swait.ge [sflag:s24], $0x4000  }
0x6e: {  	[sflag:s24] =	ssyncset.done $0x0  }
0x6f: {  	[sflag:s24] =	ssyncadd.s32 $0xFFFFC000  }
0x70: {  	_ =	swait.ge [sflag:s31], $0x4000  }
0x71: {  	[sflag:s31] =	ssyncset.done $0x0  }
0x72: {  	s13 =	simm.s32 $0x1480;
	[sflag:s31] =	ssyncadd.s32 $0xFFFFC000  }
0x73: {  	[spmem:s1] =	stream.indirect.scatter.add.f32 [tilespmem:s29], [sflag:$0x3], $0x80, s13, s26, $0xb8;
	[tilespmem:$0x1E880] =	vst v63  }
0x74: {  	_ =	swait.ge [sflag:s24], $0x4000  }
0x75: {  	s6 =	simm.s32 $0x400;
	s8 =	simm.s32 $0x800;
	[sflag:s24] =	ssyncset.done $0x0  }
.LBB2_4:
0x76: {  	s11 =	sshra.s32 s6, $0x2  }
0x77: {  	[sflag:s24] =	ssyncadd.s32 $0xFFFFC000;
	s6 =	smov.u32 s8;
	s13 =	sadd.s32 $0x400, s8  }
0x78: {  	[tilespmem:s28], [sflag:$0x1] =	stream.indirect.gather [hbm4b:s4+s26], $0x80, s11, s26, $0xb8;
	[tilespmem:$0x1E880] =	vst v63  }
0x79: {  	p1 =	sne.s32 s8, $0x4800;
	s8 =	sadd.s32 $0x80, s11  }
0x7a: {  	[tilespmem:s29], [sflag:$0x2] =	stream.indirect.gather [hbm4b:s4+s26], $0x80, s8, s26, $0xb8;
	[tilespmem:$0x1E880] =	vst v63  }
0x7b: {  	_ =	swait.ge [sflag:s30], $0x4000  }
0x7c: {  	[sflag:s30] =	ssyncset.done $0x0  }
0x7d: {  	s8 =	sadd.s32 $0x1400, s11;
	[sflag:s30] =	ssyncadd.s32 $0xFFFFC000  }
0x7e: {  	[spmem:s1] =	stream.indirect.scatter.add.f32 [tilespmem:s28], [sflag:$0x3], $0x80, s8, s26, $0xb8;
	[tilespmem:$0x1E880] =	vst v63  }
0x7f: {  	_ =	swait.ge [sflag:s24], $0x4000  }
0x80: {  	[sflag:s24] =	ssyncset.done $0x0  }
0x81: {  	[sflag:s24] =	ssyncadd.s32 $0xFFFFC000  }
0x82: {  	_ =	swait.ge [sflag:s31], $0x4000  }
.Ltmp1:
0x83: {  	[sflag:s31] =	ssyncset.done $0x0;
	(pc) =	sbr.rel @p1 .LBB2_4-.Ltmp1, $4  }
0x84: {  	s8 =	sadd.s32 $0x1480, s11;
	[sflag:s31] =	ssyncadd.s32 $0xFFFFC000  }
0x85: {  	[spmem:s1] =	stream.indirect.scatter.add.f32 [tilespmem:s29], [sflag:$0x3], $0x80, s8, s26, $0xb8;
	[tilespmem:$0x1E880] =	vst v63  }
0x86: {  	_ =	swait.ge [sflag:s24], $0x4000  }
0x87: {  	s8 =	smov.u32 s13;
	[sflag:s24] =	ssyncset.done $0x0  }
0x88: {  	s6 =	sshra.s32 s6, $0x2;
	[sflag:s24] =	ssyncadd.s32 $0xFFFFC000  }
0x89: {  	[tilespmem:s28], [sflag:$0x1] =	stream.indirect.gather [hbm4b:s4+s26], $0x80, s6, s26, $0xb8;
	[tilespmem:$0x1E880] =	vst v63  }
0x8a: {  	s8 =	sadd.s32 $0x80, s6  }
0x8b: {  	[tilespmem:s29], [sflag:$0x2] =	stream.indirect.gather [hbm4b:s4+s26], $0x80, s8, s26, $0xb8;
	[tilespmem:$0x1E880] =	vst v63  }
0x8c: {  	_ =	swait.ge [sflag:s30], $0x4000  }
0x8d: {  	[sflag:s30] =	ssyncset.done $0x0  }
0x8e: {  	s13 =	sadd.s32 $0x1400, s6;
	[sflag:s30] =	ssyncadd.s32 $0xFFFFC000  }
0x8f: {  	[spmem:s1] =	stream.indirect.scatter.add.f32 [tilespmem:s28], [sflag:$0x3], $0x80, s13, s26, $0xb8;
	[tilespmem:$0x1E880] =	vst v63  }
0x90: {  	_ =	swait.ge [sflag:s24], $0x4000  }
0x91: {  	[sflag:s24] =	ssyncset.done $0x0  }
0x92: {  	[sflag:s24] =	ssyncadd.s32 $0xFFFFC000  }
0x93: {  	_ =	swait.ge [sflag:s31], $0x4000  }
0x94: {  	[sflag:s31] =	ssyncset.done $0x0  }
0x95: {  	s6 =	sadd.s32 $0x1480, s6;
	[sflag:s31] =	ssyncadd.s32 $0xFFFFC000  }
0x96: {  	[spmem:s1] =	stream.indirect.scatter.add.f32 [tilespmem:s29], [sflag:$0x3], $0x80, s6, s26, $0xb8;
	[tilespmem:$0x1E880] =	vst v63  }
0x97: {  	_ =	swait.ge [sflag:s24], $0x4000  }
0x98: {  	[sflag:s24] =	ssyncset.done $0x0  }
0x99: {  	[sflag:s24] =	ssyncadd.s32 $0xFFFFC000  }
0x9a: {  	[bflag:$0x0] =	sbarrier.arrive $0xFFFF  }
0x9b: {  	s8 =	rddreg [dreg:$0x8]  }
0x9c: {  	[hbm:s8], [sflag:s7] =	dma.local [spmem:s2], $0x2800  }
0x9d: {  	_ =	swait.ge [sflag:s24], $0x2800  }
0x9e: {  	[sflag:s24] =	ssyncset.done $0x0  }
0x9f: {  	[sflag:s24] =	ssyncadd.s32 $0xFFFFD800  }
0xa0: {  	[bflag:$0x0] =	sbarrier.arrive $0xFFFF  }
0xa1: {  	[spmem:s2], [sflag:s7] =	dma.local [hbm:s5], $0x2800  }
0xa2: {  	_ =	swait.ge [sflag:s24], $0x2800  }
0xa3: {  	[sflag:s24] =	ssyncset.done $0x0  }
0xa4: {  	s6 =	simm.s32 @!p0 $0x3;
	[sflag:s24] =	ssyncadd.s32 $0xFFFFD800  }
0xa5: {  	[spmem:s3], [sflag:s7] =	dma.local @!p0 [hbm:s5], $0x100  }
0xa6: {  	_ =	swait.ge @!p0 [sflag:s6], $0x100  }
0xa7: {  	[sflag:s6] =	ssyncset.done @!p0 $0x0  }
0xa8: {  	[sflag:s6] =	ssyncadd.s32 @!p0 $0xFFFFFF00  }
0xa9: {  	s11 =	simm.s32 $0x0;
	[bflag:$0x0] =	sbarrier.arrive $0xFFFF  }
0xaa: {  	[tilespmem:s11], [sflag:$0x3] =	stream.linear.gather [hbm4b:s14+s11], $0x1300, $0x38;
	[tilespmem:$0x1E880] =	vst v63  }
0xab: {  	_ =	swait.ge [sflag:s24], $0x1300  }
0xac: {  	[sflag:s24] =	ssyncset.done $0x0  }
0xad: {  	[sflag:s24] =	ssyncadd.s32 $0xFFFFED00  }
0xae: {  	[tilespmem:s25], [sflag:$0x3] =	stream.linear.gather [hbm4b:s10+s11], $0x1300, $0x38;
	[tilespmem:$0x1E880] =	vst v63  }
0xaf: {  	_ =	swait.ge [sflag:s24], $0x1300  }
0xb0: {  	[sflag:s24] =	ssyncset.done $0x0  }
0xb1: {  	s13 =	simm.s32 $0x0;
	[sflag:s24] =	ssyncadd.s32 $0xFFFFED00  }
0xb2: {  	[tilespmem:s28], [sflag:$0x1] =	stream.indirect.gather [hbm4b:s4+s26], $0x80, s13, s26, $0xb8;
	[tilespmem:$0x1E880] =	vst v63  }
0xb3: {  	s8 =	simm.s32 $0x80  }
0xb4: {  	[tilespmem:s29], [sflag:$0x2] =	stream.indirect.gather [hbm4b:s4+s26], $0x80, s8, s26, $0xb8;
	[tilespmem:$0x1E880] =	vst v63  }
0xb5: {  	_ =	swait.ge [sflag:s30], $0x4000  }
0xb6: {  	[sflag:s30] =	ssyncset.done $0x0  }
0xb7: {  	s11 =	simm.s32 $0x1400;
	[sflag:s30] =	ssyncadd.s32 $0xFFFFC000  }
0xb8: {  	[spmem:s1] =	stream.indirect.scatter.add.f32 [tilespmem:s28], [sflag:$0x3], $0x80, s11, s26, $0xb8;
	[tilespmem:$0x1E880] =	vst v63  }
0xb9: {  	_ =	swait.ge [sflag:s24], $0x4000  }
0xba: {  	[sflag:s24] =	ssyncset.done $0x0  }
0xbb: {  	[sflag:s24] =	ssyncadd.s32 $0xFFFFC000  }
0xbc: {  	_ =	swait.ge [sflag:s31], $0x4000  }
0xbd: {  	[sflag:s31] =	ssyncset.done $0x0  }
0xbe: {  	s13 =	simm.s32 $0x1480;
	[sflag:s31] =	ssyncadd.s32 $0xFFFFC000  }
0xbf: {  	[spmem:s1] =	stream.indirect.scatter.add.f32 [tilespmem:s29], [sflag:$0x3], $0x80, s13, s26, $0xb8;
	[tilespmem:$0x1E880] =	vst v63  }
0xc0: {  	_ =	swait.ge [sflag:s24], $0x4000  }
0xc1: {  	s6 =	simm.s32 $0x400;
	s8 =	simm.s32 $0x800;
	[sflag:s24] =	ssyncset.done $0x0  }
.LBB2_6:
0xc2: {  	s11 =	sshra.s32 s6, $0x2  }
0xc3: {  	[sflag:s24] =	ssyncadd.s32 $0xFFFFC000;
	s6 =	smov.u32 s8;
	s13 =	sadd.s32 $0x400, s8  }
0xc4: {  	[tilespmem:s28], [sflag:$0x1] =	stream.indirect.gather [hbm4b:s4+s26], $0x80, s11, s26, $0xb8;
	[tilespmem:$0x1E880] =	vst v63  }
0xc5: {  	p1 =	sne.s32 s8, $0x4800;
	s8 =	sadd.s32 $0x80, s11  }
0xc6: {  	[tilespmem:s29], [sflag:$0x2] =	stream.indirect.gather [hbm4b:s4+s26], $0x80, s8, s26, $0xb8;
	[tilespmem:$0x1E880] =	vst v63  }
0xc7: {  	_ =	swait.ge [sflag:s30], $0x4000  }
0xc8: {  	[sflag:s30] =	ssyncset.done $0x0  }
0xc9: {  	s8 =	sadd.s32 $0x1400, s11;
	[sflag:s30] =	ssyncadd.s32 $0xFFFFC000  }
0xca: {  	[spmem:s1] =	stream.indirect.scatter.add.f32 [tilespmem:s28], [sflag:$0x3], $0x80, s8, s26, $0xb8;
	[tilespmem:$0x1E880] =	vst v63  }
0xcb: {  	_ =	swait.ge [sflag:s24], $0x4000  }
0xcc: {  	[sflag:s24] =	ssyncset.done $0x0  }
0xcd: {  	[sflag:s24] =	ssyncadd.s32 $0xFFFFC000  }
0xce: {  	_ =	swait.ge [sflag:s31], $0x4000  }
.Ltmp2:
0xcf: {  	[sflag:s31] =	ssyncset.done $0x0;
	(pc) =	sbr.rel @p1 .LBB2_6-.Ltmp2, $4  }
0xd0: {  	s8 =	sadd.s32 $0x1480, s11;
	[sflag:s31] =	ssyncadd.s32 $0xFFFFC000  }
0xd1: {  	[spmem:s1] =	stream.indirect.scatter.add.f32 [tilespmem:s29], [sflag:$0x3], $0x80, s8, s26, $0xb8;
	[tilespmem:$0x1E880] =	vst v63  }
0xd2: {  	_ =	swait.ge [sflag:s24], $0x4000  }
0xd3: {  	s8 =	smov.u32 s13;
	[sflag:s24] =	ssyncset.done $0x0  }
0xd4: {  	s6 =	sshra.s32 s6, $0x2;
	[sflag:s24] =	ssyncadd.s32 $0xFFFFC000  }
0xd5: {  	[tilespmem:s28], [sflag:$0x1] =	stream.indirect.gather [hbm4b:s4+s26], $0x80, s6, s26, $0xb8;
	[tilespmem:$0x1E880] =	vst v63  }
0xd6: {  	s8 =	sadd.s32 $0x80, s6  }
0xd7: {  	[tilespmem:s29], [sflag:$0x2] =	stream.indirect.gather [hbm4b:s4+s26], $0x80, s8, s26, $0xb8;
	[tilespmem:$0x1E880] =	vst v63  }
0xd8: {  	_ =	swait.ge [sflag:s30], $0x4000  }
0xd9: {  	[sflag:s30] =	ssyncset.done $0x0  }
0xda: {  	s13 =	sadd.s32 $0x1400, s6;
	[sflag:s30] =	ssyncadd.s32 $0xFFFFC000  }
0xdb: {  	[spmem:s1] =	stream.indirect.scatter.add.f32 [tilespmem:s28], [sflag:$0x3], $0x80, s13, s26, $0xb8;
	[tilespmem:$0x1E880] =	vst v63  }
0xdc: {  	_ =	swait.ge [sflag:s24], $0x4000  }
0xdd: {  	[sflag:s24] =	ssyncset.done $0x0  }
0xde: {  	[sflag:s24] =	ssyncadd.s32 $0xFFFFC000  }
0xdf: {  	_ =	swait.ge [sflag:s31], $0x4000  }
0xe0: {  	[sflag:s31] =	ssyncset.done $0x0  }
0xe1: {  	s6 =	sadd.s32 $0x1480, s6;
	[sflag:s31] =	ssyncadd.s32 $0xFFFFC000  }
0xe2: {  	[spmem:s1] =	stream.indirect.scatter.add.f32 [tilespmem:s29], [sflag:$0x3], $0x80, s6, s26, $0xb8;
	[tilespmem:$0x1E880] =	vst v63  }
0xe3: {  	_ =	swait.ge [sflag:s24], $0x4000  }
0xe4: {  	[sflag:s24] =	ssyncset.done $0x0  }
0xe5: {  	s11 =	simm.s32 $0x0;
	[sflag:s24] =	ssyncadd.s32 $0xFFFFC000  }
0xe6: {  	[tilespmem:s11], [sflag:$0x3] =	stream.linear.gather [hbm4b:s15+s11], $0x1300, $0x38;
	[tilespmem:$0x1E880] =	vst v63  }
0xe7: {  	_ =	swait.ge [sflag:s24], $0x1300  }
0xe8: {  	[sflag:s24] =	ssyncset.done $0x0  }
0xe9: {  	[sflag:s24] =	ssyncadd.s32 $0xFFFFED00  }
0xea: {  	[tilespmem:s25], [sflag:$0x3] =	stream.linear.gather [hbm4b:s12+s11], $0x1300, $0x38;
	[tilespmem:$0x1E880] =	vst v63  }
0xeb: {  	_ =	swait.ge [sflag:s24], $0x1300  }
0xec: {  	[sflag:s24] =	ssyncset.done $0x0  }
0xed: {  	s13 =	simm.s32 $0x0;
	[sflag:s24] =	ssyncadd.s32 $0xFFFFED00  }
0xee: {  	[tilespmem:s28], [sflag:$0x1] =	stream.indirect.gather [hbm4b:s4+s26], $0x80, s13, s26, $0xb8;
	[tilespmem:$0x1E880] =	vst v63  }
0xef: {  	s8 =	simm.s32 $0x80  }
0xf0: {  	[tilespmem:s29], [sflag:$0x2] =	stream.indirect.gather [hbm4b:s4+s26], $0x80, s8, s26, $0xb8;
	[tilespmem:$0x1E880] =	vst v63  }
0xf1: {  	_ =	swait.ge [sflag:s30], $0x4000  }
0xf2: {  	[sflag:s30] =	ssyncset.done $0x0  }
0xf3: {  	s11 =	simm.s32 $0x1400;
	[sflag:s30] =	ssyncadd.s32 $0xFFFFC000  }
0xf4: {  	[spmem:s1] =	stream.indirect.scatter.add.f32 [tilespmem:s28], [sflag:$0x3], $0x80, s11, s26, $0xb8;
	[tilespmem:$0x1E880] =	vst v63  }
0xf5: {  	_ =	swait.ge [sflag:s24], $0x4000  }
0xf6: {  	[sflag:s24] =	ssyncset.done $0x0  }
0xf7: {  	[sflag:s24] =	ssyncadd.s32 $0xFFFFC000  }
0xf8: {  	_ =	swait.ge [sflag:s31], $0x4000  }
0xf9: {  	[sflag:s31] =	ssyncset.done $0x0  }
0xfa: {  	s13 =	simm.s32 $0x1480;
	[sflag:s31] =	ssyncadd.s32 $0xFFFFC000  }
0xfb: {  	[spmem:s1] =	stream.indirect.scatter.add.f32 [tilespmem:s29], [sflag:$0x3], $0x80, s13, s26, $0xb8;
	[tilespmem:$0x1E880] =	vst v63  }
0xfc: {  	_ =	swait.ge [sflag:s24], $0x4000  }
0xfd: {  	s6 =	simm.s32 $0x400;
	s8 =	simm.s32 $0x800;
	[sflag:s24] =	ssyncset.done $0x0  }
.LBB2_8:
0xfe: {  	s11 =	sshra.s32 s6, $0x2  }
0xff: {  	[sflag:s24] =	ssyncadd.s32 $0xFFFFC000;
	s6 =	smov.u32 s8;
	s13 =	sadd.s32 $0x400, s8  }
0x100: {  	[tilespmem:s28], [sflag:$0x1] =	stream.indirect.gather [hbm4b:s4+s26], $0x80, s11, s26, $0xb8;
	[tilespmem:$0x1E880] =	vst v63  }
0x101: {  	p1 =	sne.s32 s8, $0x4800;
	s8 =	sadd.s32 $0x80, s11  }
0x102: {  	[tilespmem:s29], [sflag:$0x2] =	stream.indirect.gather [hbm4b:s4+s26], $0x80, s8, s26, $0xb8;
	[tilespmem:$0x1E880] =	vst v63  }
0x103: {  	_ =	swait.ge [sflag:s30], $0x4000  }
0x104: {  	[sflag:s30] =	ssyncset.done $0x0  }
0x105: {  	s8 =	sadd.s32 $0x1400, s11;
	[sflag:s30] =	ssyncadd.s32 $0xFFFFC000  }
0x106: {  	[spmem:s1] =	stream.indirect.scatter.add.f32 [tilespmem:s28], [sflag:$0x3], $0x80, s8, s26, $0xb8;
	[tilespmem:$0x1E880] =	vst v63  }
0x107: {  	_ =	swait.ge [sflag:s24], $0x4000  }
0x108: {  	[sflag:s24] =	ssyncset.done $0x0  }
0x109: {  	[sflag:s24] =	ssyncadd.s32 $0xFFFFC000  }
0x10a: {  	_ =	swait.ge [sflag:s31], $0x4000  }
.Ltmp3:
0x10b: {  	[sflag:s31] =	ssyncset.done $0x0;
	(pc) =	sbr.rel @p1 .LBB2_8-.Ltmp3, $4  }
0x10c: {  	s8 =	sadd.s32 $0x1480, s11;
	[sflag:s31] =	ssyncadd.s32 $0xFFFFC000  }
0x10d: {  	[spmem:s1] =	stream.indirect.scatter.add.f32 [tilespmem:s29], [sflag:$0x3], $0x80, s8, s26, $0xb8;
	[tilespmem:$0x1E880] =	vst v63  }
0x10e: {  	_ =	swait.ge [sflag:s24], $0x4000  }
0x10f: {  	s8 =	smov.u32 s13;
	[sflag:s24] =	ssyncset.done $0x0  }
0x110: {  	s6 =	sshra.s32 s6, $0x2;
	[sflag:s24] =	ssyncadd.s32 $0xFFFFC000  }
0x111: {  	[tilespmem:s28], [sflag:$0x1] =	stream.indirect.gather [hbm4b:s4+s26], $0x80, s6, s26, $0xb8;
	[tilespmem:$0x1E880] =	vst v63  }
0x112: {  	s8 =	sadd.s32 $0x80, s6  }
0x113: {  	[tilespmem:s29], [sflag:$0x2] =	stream.indirect.gather [hbm4b:s4+s26], $0x80, s8, s26, $0xb8;
	[tilespmem:$0x1E880] =	vst v63  }
0x114: {  	_ =	swait.ge [sflag:s30], $0x4000  }
0x115: {  	[sflag:s30] =	ssyncset.done $0x0  }
0x116: {  	s13 =	sadd.s32 $0x1400, s6;
	[sflag:s30] =	ssyncadd.s32 $0xFFFFC000  }
0x117: {  	[spmem:s1] =	stream.indirect.scatter.add.f32 [tilespmem:s28], [sflag:$0x3], $0x80, s13, s26, $0xb8;
	[tilespmem:$0x1E880] =	vst v63  }
0x118: {  	_ =	swait.ge [sflag:s24], $0x4000  }
0x119: {  	[sflag:s24] =	ssyncset.done $0x0  }
0x11a: {  	[sflag:s24] =	ssyncadd.s32 $0xFFFFC000  }
0x11b: {  	_ =	swait.ge [sflag:s31], $0x4000  }
0x11c: {  	[sflag:s31] =	ssyncset.done $0x0  }
0x11d: {  	s6 =	sadd.s32 $0x1480, s6;
	[sflag:s31] =	ssyncadd.s32 $0xFFFFC000  }
0x11e: {  	[spmem:s1] =	stream.indirect.scatter.add.f32 [tilespmem:s29], [sflag:$0x3], $0x80, s6, s26, $0xb8;
	[tilespmem:$0x1E880] =	vst v63  }
0x11f: {  	_ =	swait.ge [sflag:s24], $0x4000  }
0x120: {  	[sflag:s24] =	ssyncset.done $0x0  }
0x121: {  	[sflag:s24] =	ssyncadd.s32 $0xFFFFC000  }
0x122: {  	[bflag:$0x0] =	sbarrier.arrive $0xFFFF  }
0x123: {  	[hbm:s16], [sflag:s7] =	dma.local [spmem:s2], $0x2800  }
0x124: {  	_ =	swait.ge [sflag:s24], $0x2800  }
0x125: {  	[sflag:s24] =	ssyncset.done $0x0  }
0x126: {  	[sflag:s24] =	ssyncadd.s32 $0xFFFFD800  }
0x127: {  	[bflag:$0x0] =	sbarrier.arrive $0xFFFF  }
0x128: {  	[spmem:s2], [sflag:s7] =	dma.local [hbm:s5], $0x2800  }
0x129: {  	_ =	swait.ge [sflag:s24], $0x2800  }
0x12a: {  	[sflag:s24] =	ssyncset.done $0x0  }
0x12b: {  	s6 =	simm.s32 @!p0 $0x3;
	[sflag:s24] =	ssyncadd.s32 $0xFFFFD800  }
0x12c: {  	[spmem:s3], [sflag:s7] =	dma.local @!p0 [hbm:s5], $0x100  }
0x12d: {  	_ =	swait.ge @!p0 [sflag:s6], $0x100  }
0x12e: {  	[sflag:s6] =	ssyncset.done @!p0 $0x0  }
0x12f: {  	[sflag:s6] =	ssyncadd.s32 @!p0 $0xFFFFFF00  }
0x130: {  	s11 =	simm.s32 $0x0;
	[bflag:$0x0] =	sbarrier.arrive $0xFFFF  }
0x131: {  	[tilespmem:s11], [sflag:$0x3] =	stream.linear.gather [hbm4b:s17+s11], $0x1300, $0x38;
	[tilespmem:$0x1E880] =	vst v63  }
0x132: {  	_ =	swait.ge [sflag:s24], $0x1300  }
0x133: {  	[sflag:s24] =	ssyncset.done $0x0  }
0x134: {  	[sflag:s24] =	ssyncadd.s32 $0xFFFFED00  }
0x135: {  	[tilespmem:s25], [sflag:$0x3] =	stream.linear.gather [hbm4b:s10+s11], $0x1300, $0x38;
	[tilespmem:$0x1E880] =	vst v63  }
0x136: {  	_ =	swait.ge [sflag:s24], $0x1300  }
0x137: {  	[sflag:s24] =	ssyncset.done $0x0  }
0x138: {  	s13 =	simm.s32 $0x0;
	[sflag:s24] =	ssyncadd.s32 $0xFFFFED00  }
0x139: {  	[tilespmem:s28], [sflag:$0x1] =	stream.indirect.gather [hbm4b:s4+s26], $0x80, s13, s26, $0xb8;
	[tilespmem:$0x1E880] =	vst v63  }
0x13a: {  	s8 =	simm.s32 $0x80  }
0x13b: {  	[tilespmem:s29], [sflag:$0x2] =	stream.indirect.gather [hbm4b:s4+s26], $0x80, s8, s26, $0xb8;
	[tilespmem:$0x1E880] =	vst v63  }
0x13c: {  	_ =	swait.ge [sflag:s30], $0x4000  }
0x13d: {  	[sflag:s30] =	ssyncset.done $0x0  }
0x13e: {  	s11 =	simm.s32 $0x1400;
	[sflag:s30] =	ssyncadd.s32 $0xFFFFC000  }
0x13f: {  	[spmem:s1] =	stream.indirect.scatter.add.f32 [tilespmem:s28], [sflag:$0x3], $0x80, s11, s26, $0xb8;
	[tilespmem:$0x1E880] =	vst v63  }
0x140: {  	_ =	swait.ge [sflag:s24], $0x4000  }
0x141: {  	[sflag:s24] =	ssyncset.done $0x0  }
0x142: {  	[sflag:s24] =	ssyncadd.s32 $0xFFFFC000  }
0x143: {  	_ =	swait.ge [sflag:s31], $0x4000  }
0x144: {  	[sflag:s31] =	ssyncset.done $0x0  }
0x145: {  	s13 =	simm.s32 $0x1480;
	[sflag:s31] =	ssyncadd.s32 $0xFFFFC000  }
0x146: {  	[spmem:s1] =	stream.indirect.scatter.add.f32 [tilespmem:s29], [sflag:$0x3], $0x80, s13, s26, $0xb8;
	[tilespmem:$0x1E880] =	vst v63  }
0x147: {  	_ =	swait.ge [sflag:s24], $0x4000  }
0x148: {  	s6 =	simm.s32 $0x400;
	s8 =	simm.s32 $0x800;
	[sflag:s24] =	ssyncset.done $0x0  }
.LBB2_10:
0x149: {  	s11 =	sshra.s32 s6, $0x2  }
0x14a: {  	[sflag:s24] =	ssyncadd.s32 $0xFFFFC000;
	s6 =	smov.u32 s8;
	s13 =	sadd.s32 $0x400, s8  }
0x14b: {  	[tilespmem:s28], [sflag:$0x1] =	stream.indirect.gather [hbm4b:s4+s26], $0x80, s11, s26, $0xb8;
	[tilespmem:$0x1E880] =	vst v63  }
0x14c: {  	p1 =	sne.s32 s8, $0x4800;
	s8 =	sadd.s32 $0x80, s11  }
0x14d: {  	[tilespmem:s29], [sflag:$0x2] =	stream.indirect.gather [hbm4b:s4+s26], $0x80, s8, s26, $0xb8;
	[tilespmem:$0x1E880] =	vst v63  }
0x14e: {  	_ =	swait.ge [sflag:s30], $0x4000  }
0x14f: {  	[sflag:s30] =	ssyncset.done $0x0  }
0x150: {  	s8 =	sadd.s32 $0x1400, s11;
	[sflag:s30] =	ssyncadd.s32 $0xFFFFC000  }
0x151: {  	[spmem:s1] =	stream.indirect.scatter.add.f32 [tilespmem:s28], [sflag:$0x3], $0x80, s8, s26, $0xb8;
	[tilespmem:$0x1E880] =	vst v63  }
0x152: {  	_ =	swait.ge [sflag:s24], $0x4000  }
0x153: {  	[sflag:s24] =	ssyncset.done $0x0  }
0x154: {  	[sflag:s24] =	ssyncadd.s32 $0xFFFFC000  }
0x155: {  	_ =	swait.ge [sflag:s31], $0x4000  }
.Ltmp4:
0x156: {  	[sflag:s31] =	ssyncset.done $0x0;
	(pc) =	sbr.rel @p1 .LBB2_10-.Ltmp4, $4  }
0x157: {  	s8 =	sadd.s32 $0x1480, s11;
	[sflag:s31] =	ssyncadd.s32 $0xFFFFC000  }
0x158: {  	[spmem:s1] =	stream.indirect.scatter.add.f32 [tilespmem:s29], [sflag:$0x3], $0x80, s8, s26, $0xb8;
	[tilespmem:$0x1E880] =	vst v63  }
0x159: {  	_ =	swait.ge [sflag:s24], $0x4000  }
0x15a: {  	s8 =	smov.u32 s13;
	[sflag:s24] =	ssyncset.done $0x0  }
0x15b: {  	s6 =	sshra.s32 s6, $0x2;
	[sflag:s24] =	ssyncadd.s32 $0xFFFFC000  }
0x15c: {  	[tilespmem:s28], [sflag:$0x1] =	stream.indirect.gather [hbm4b:s4+s26], $0x80, s6, s26, $0xb8;
	[tilespmem:$0x1E880] =	vst v63  }
0x15d: {  	s8 =	sadd.s32 $0x80, s6  }
0x15e: {  	[tilespmem:s29], [sflag:$0x2] =	stream.indirect.gather [hbm4b:s4+s26], $0x80, s8, s26, $0xb8;
	[tilespmem:$0x1E880] =	vst v63  }
0x15f: {  	_ =	swait.ge [sflag:s30], $0x4000  }
0x160: {  	[sflag:s30] =	ssyncset.done $0x0  }
0x161: {  	s13 =	sadd.s32 $0x1400, s6;
	[sflag:s30] =	ssyncadd.s32 $0xFFFFC000  }
0x162: {  	[spmem:s1] =	stream.indirect.scatter.add.f32 [tilespmem:s28], [sflag:$0x3], $0x80, s13, s26, $0xb8;
	[tilespmem:$0x1E880] =	vst v63  }
0x163: {  	_ =	swait.ge [sflag:s24], $0x4000  }
0x164: {  	[sflag:s24] =	ssyncset.done $0x0  }
0x165: {  	[sflag:s24] =	ssyncadd.s32 $0xFFFFC000  }
0x166: {  	_ =	swait.ge [sflag:s31], $0x4000  }
0x167: {  	[sflag:s31] =	ssyncset.done $0x0  }
0x168: {  	s6 =	sadd.s32 $0x1480, s6;
	[sflag:s31] =	ssyncadd.s32 $0xFFFFC000  }
0x169: {  	[spmem:s1] =	stream.indirect.scatter.add.f32 [tilespmem:s29], [sflag:$0x3], $0x80, s6, s26, $0xb8;
	[tilespmem:$0x1E880] =	vst v63  }
0x16a: {  	_ =	swait.ge [sflag:s24], $0x4000  }
0x16b: {  	[sflag:s24] =	ssyncset.done $0x0  }
0x16c: {  	s11 =	simm.s32 $0x0;
	[sflag:s24] =	ssyncadd.s32 $0xFFFFC000  }
0x16d: {  	[tilespmem:s11], [sflag:$0x3] =	stream.linear.gather [hbm4b:s18+s11], $0x1300, $0x38;
	[tilespmem:$0x1E880] =	vst v63  }
0x16e: {  	_ =	swait.ge [sflag:s24], $0x1300  }
0x16f: {  	[sflag:s24] =	ssyncset.done $0x0  }
0x170: {  	[sflag:s24] =	ssyncadd.s32 $0xFFFFED00  }
0x171: {  	[tilespmem:s25], [sflag:$0x3] =	stream.linear.gather [hbm4b:s12+s11], $0x1300, $0x38;
	[tilespmem:$0x1E880] =	vst v63  }
0x172: {  	_ =	swait.ge [sflag:s24], $0x1300  }
0x173: {  	[sflag:s24] =	ssyncset.done $0x0  }
0x174: {  	s13 =	simm.s32 $0x0;
	[sflag:s24] =	ssyncadd.s32 $0xFFFFED00  }
0x175: {  	[tilespmem:s28], [sflag:$0x1] =	stream.indirect.gather [hbm4b:s4+s26], $0x80, s13, s26, $0xb8;
	[tilespmem:$0x1E880] =	vst v63  }
0x176: {  	s8 =	simm.s32 $0x80  }
0x177: {  	[tilespmem:s29], [sflag:$0x2] =	stream.indirect.gather [hbm4b:s4+s26], $0x80, s8, s26, $0xb8;
	[tilespmem:$0x1E880] =	vst v63  }
0x178: {  	_ =	swait.ge [sflag:s30], $0x4000  }
0x179: {  	[sflag:s30] =	ssyncset.done $0x0  }
0x17a: {  	s11 =	simm.s32 $0x1400;
	[sflag:s30] =	ssyncadd.s32 $0xFFFFC000  }
0x17b: {  	[spmem:s1] =	stream.indirect.scatter.add.f32 [tilespmem:s28], [sflag:$0x3], $0x80, s11, s26, $0xb8;
	[tilespmem:$0x1E880] =	vst v63  }
0x17c: {  	_ =	swait.ge [sflag:s24], $0x4000  }
0x17d: {  	[sflag:s24] =	ssyncset.done $0x0  }
0x17e: {  	[sflag:s24] =	ssyncadd.s32 $0xFFFFC000  }
0x17f: {  	_ =	swait.ge [sflag:s31], $0x4000  }
0x180: {  	[sflag:s31] =	ssyncset.done $0x0  }
0x181: {  	s13 =	simm.s32 $0x1480;
	[sflag:s31] =	ssyncadd.s32 $0xFFFFC000  }
0x182: {  	[spmem:s1] =	stream.indirect.scatter.add.f32 [tilespmem:s29], [sflag:$0x3], $0x80, s13, s26, $0xb8;
	[tilespmem:$0x1E880] =	vst v63  }
0x183: {  	_ =	swait.ge [sflag:s24], $0x4000  }
0x184: {  	s6 =	simm.s32 $0x400;
	s8 =	simm.s32 $0x800;
	[sflag:s24] =	ssyncset.done $0x0  }
.LBB2_12:
0x185: {  	s11 =	sshra.s32 s6, $0x2  }
0x186: {  	[sflag:s24] =	ssyncadd.s32 $0xFFFFC000;
	s6 =	smov.u32 s8;
	s13 =	sadd.s32 $0x400, s8  }
0x187: {  	[tilespmem:s28], [sflag:$0x1] =	stream.indirect.gather [hbm4b:s4+s26], $0x80, s11, s26, $0xb8;
	[tilespmem:$0x1E880] =	vst v63  }
0x188: {  	p1 =	sne.s32 s8, $0x4800;
	s8 =	sadd.s32 $0x80, s11  }
0x189: {  	[tilespmem:s29], [sflag:$0x2] =	stream.indirect.gather [hbm4b:s4+s26], $0x80, s8, s26, $0xb8;
	[tilespmem:$0x1E880] =	vst v63  }
0x18a: {  	_ =	swait.ge [sflag:s30], $0x4000  }
0x18b: {  	[sflag:s30] =	ssyncset.done $0x0  }
0x18c: {  	s8 =	sadd.s32 $0x1400, s11;
	[sflag:s30] =	ssyncadd.s32 $0xFFFFC000  }
0x18d: {  	[spmem:s1] =	stream.indirect.scatter.add.f32 [tilespmem:s28], [sflag:$0x3], $0x80, s8, s26, $0xb8;
	[tilespmem:$0x1E880] =	vst v63  }
0x18e: {  	_ =	swait.ge [sflag:s24], $0x4000  }
0x18f: {  	[sflag:s24] =	ssyncset.done $0x0  }
0x190: {  	[sflag:s24] =	ssyncadd.s32 $0xFFFFC000  }
0x191: {  	_ =	swait.ge [sflag:s31], $0x4000  }
.Ltmp5:
0x192: {  	[sflag:s31] =	ssyncset.done $0x0;
	(pc) =	sbr.rel @p1 .LBB2_12-.Ltmp5, $4  }
0x193: {  	s8 =	sadd.s32 $0x1480, s11;
	[sflag:s31] =	ssyncadd.s32 $0xFFFFC000  }
0x194: {  	[spmem:s1] =	stream.indirect.scatter.add.f32 [tilespmem:s29], [sflag:$0x3], $0x80, s8, s26, $0xb8;
	[tilespmem:$0x1E880] =	vst v63  }
0x195: {  	_ =	swait.ge [sflag:s24], $0x4000  }
0x196: {  	s8 =	smov.u32 s13;
	[sflag:s24] =	ssyncset.done $0x0  }
0x197: {  	s6 =	sshra.s32 s6, $0x2;
	[sflag:s24] =	ssyncadd.s32 $0xFFFFC000  }
0x198: {  	[tilespmem:s28], [sflag:$0x1] =	stream.indirect.gather [hbm4b:s4+s26], $0x80, s6, s26, $0xb8;
	[tilespmem:$0x1E880] =	vst v63  }
0x199: {  	s8 =	sadd.s32 $0x80, s6  }
0x19a: {  	[tilespmem:s29], [sflag:$0x2] =	stream.indirect.gather [hbm4b:s4+s26], $0x80, s8, s26, $0xb8;
	[tilespmem:$0x1E880] =	vst v63  }
0x19b: {  	_ =	swait.ge [sflag:s30], $0x4000  }
0x19c: {  	[sflag:s30] =	ssyncset.done $0x0  }
0x19d: {  	s11 =	sadd.s32 $0x1400, s6;
	[sflag:s30] =	ssyncadd.s32 $0xFFFFC000  }
0x19e: {  	[spmem:s1] =	stream.indirect.scatter.add.f32 [tilespmem:s28], [sflag:$0x3], $0x80, s11, s26, $0xb8;
	[tilespmem:$0x1E880] =	vst v63  }
0x19f: {  	_ =	swait.ge [sflag:s24], $0x4000  }
0x1a0: {  	[sflag:s24] =	ssyncset.done $0x0  }
0x1a1: {  	[sflag:s24] =	ssyncadd.s32 $0xFFFFC000  }
0x1a2: {  	_ =	swait.ge [sflag:s31], $0x4000  }
0x1a3: {  	[sflag:s31] =	ssyncset.done $0x0  }
0x1a4: {  	s6 =	sadd.s32 $0x1480, s6;
	[sflag:s31] =	ssyncadd.s32 $0xFFFFC000  }
0x1a5: {  	[spmem:s1] =	stream.indirect.scatter.add.f32 [tilespmem:s29], [sflag:$0x3], $0x80, s6, s26, $0xb8;
	[tilespmem:$0x1E880] =	vst v63  }
0x1a6: {  	_ =	swait.ge [sflag:s24], $0x4000  }
0x1a7: {  	[sflag:s24] =	ssyncset.done $0x0  }
0x1a8: {  	[sflag:s24] =	ssyncadd.s32 $0xFFFFC000  }
0x1a9: {  	[bflag:$0x0] =	sbarrier.arrive $0xFFFF  }
0x1aa: {  	[hbm:s19], [sflag:s7] =	dma.local [spmem:s2], $0x2800  }
0x1ab: {  	_ =	swait.ge [sflag:s24], $0x2800  }
0x1ac: {  	[sflag:s24] =	ssyncset.done $0x0  }
0x1ad: {  	[sflag:s24] =	ssyncadd.s32 $0xFFFFD800  }
0x1ae: {  	[bflag:$0x0] =	sbarrier.arrive $0xFFFF  }
0x1af: {  	[spmem:s2], [sflag:s7] =	dma.local [hbm:s5], $0x2800  }
0x1b0: {  	_ =	swait.ge [sflag:s24], $0x2800  }
0x1b1: {  	[sflag:s24] =	ssyncset.done $0x0  }
0x1b2: {  	[sflag:s24] =	ssyncadd.s32 $0xFFFFD800  }
0x1b3: {  	[spmem:s3], [sflag:s7] =	dma.local @!p0 [hbm:s5], $0x100  }
0x1b4: {  	s3 =	simm.s32 @!p0 $0x3  }
0x1b5: {  	_ =	swait.ge @!p0 [sflag:s3], $0x100  }
0x1b6: {  	[sflag:s3] =	ssyncset.done @!p0 $0x0  }
0x1b7: {  	[sflag:s3] =	ssyncadd.s32 @!p0 $0xFFFFFF00  }
0x1b8: {  	s13 =	simm.s32 $0x0;
	[bflag:$0x0] =	sbarrier.arrive $0xFFFF  }
0x1b9: {  	[tilespmem:s13], [sflag:$0x3] =	stream.linear.gather [hbm4b:s20+s13], $0x1300, $0x38;
	[tilespmem:$0x1E880] =	vst v63  }
0x1ba: {  	_ =	swait.ge [sflag:s24], $0x1300  }
0x1bb: {  	[sflag:s24] =	ssyncset.done $0x0  }
0x1bc: {  	[sflag:s24] =	ssyncadd.s32 $0xFFFFED00  }
0x1bd: {  	[tilespmem:s25], [sflag:$0x3] =	stream.linear.gather [hbm4b:s10+s13], $0x1300, $0x38;
	[tilespmem:$0x1E880] =	vst v63  }
0x1be: {  	_ =	swait.ge [sflag:s24], $0x1300  }
0x1bf: {  	[sflag:s24] =	ssyncset.done $0x0  }
0x1c0: {  	s6 =	simm.s32 $0x0;
	[sflag:s24] =	ssyncadd.s32 $0xFFFFED00  }
0x1c1: {  	[tilespmem:s28], [sflag:$0x1] =	stream.indirect.gather [hbm4b:s4+s26], $0x80, s6, s26, $0xb8;
	[tilespmem:$0x1E880] =	vst v63  }
0x1c2: {  	s8 =	simm.s32 $0x80  }
0x1c3: {  	[tilespmem:s29], [sflag:$0x2] =	stream.indirect.gather [hbm4b:s4+s26], $0x80, s8, s26, $0xb8;
	[tilespmem:$0x1E880] =	vst v63  }
0x1c4: {  	_ =	swait.ge [sflag:s30], $0x4000  }
0x1c5: {  	[sflag:s30] =	ssyncset.done $0x0  }
0x1c6: {  	s11 =	simm.s32 $0x1400;
	[sflag:s30] =	ssyncadd.s32 $0xFFFFC000  }
0x1c7: {  	[spmem:s1] =	stream.indirect.scatter.add.f32 [tilespmem:s28], [sflag:$0x3], $0x80, s11, s26, $0xb8;
	[tilespmem:$0x1E880] =	vst v63  }
0x1c8: {  	_ =	swait.ge [sflag:s24], $0x4000  }
0x1c9: {  	[sflag:s24] =	ssyncset.done $0x0  }
0x1ca: {  	[sflag:s24] =	ssyncadd.s32 $0xFFFFC000  }
0x1cb: {  	_ =	swait.ge [sflag:s31], $0x4000  }
0x1cc: {  	[sflag:s31] =	ssyncset.done $0x0  }
0x1cd: {  	s13 =	simm.s32 $0x1480;
	[sflag:s31] =	ssyncadd.s32 $0xFFFFC000  }
0x1ce: {  	[spmem:s1] =	stream.indirect.scatter.add.f32 [tilespmem:s29], [sflag:$0x3], $0x80, s13, s26, $0xb8;
	[tilespmem:$0x1E880] =	vst v63  }
0x1cf: {  	_ =	swait.ge [sflag:s24], $0x4000  }
0x1d0: {  	s3 =	simm.s32 $0x400;
	s6 =	simm.s32 $0x800;
	[sflag:s24] =	ssyncset.done $0x0  }
.LBB2_14:
0x1d1: {  	s8 =	sshra.s32 s3, $0x2  }
0x1d2: {  	[sflag:s24] =	ssyncadd.s32 $0xFFFFC000;
	s3 =	smov.u32 s6;
	s11 =	sadd.s32 $0x400, s6  }
0x1d3: {  	[tilespmem:s28], [sflag:$0x1] =	stream.indirect.gather [hbm4b:s4+s26], $0x80, s8, s26, $0xb8;
	[tilespmem:$0x1E880] =	vst v63  }
0x1d4: {  	p1 =	sne.s32 s6, $0x4800;
	s6 =	sadd.s32 $0x80, s8  }
0x1d5: {  	[tilespmem:s29], [sflag:$0x2] =	stream.indirect.gather [hbm4b:s4+s26], $0x80, s6, s26, $0xb8;
	[tilespmem:$0x1E880] =	vst v63  }
0x1d6: {  	_ =	swait.ge [sflag:s30], $0x4000  }
0x1d7: {  	[sflag:s30] =	ssyncset.done $0x0  }
0x1d8: {  	s6 =	sadd.s32 $0x1400, s8;
	[sflag:s30] =	ssyncadd.s32 $0xFFFFC000  }
0x1d9: {  	[spmem:s1] =	stream.indirect.scatter.add.f32 [tilespmem:s28], [sflag:$0x3], $0x80, s6, s26, $0xb8;
	[tilespmem:$0x1E880] =	vst v63  }
0x1da: {  	_ =	swait.ge [sflag:s24], $0x4000  }
0x1db: {  	[sflag:s24] =	ssyncset.done $0x0  }
0x1dc: {  	[sflag:s24] =	ssyncadd.s32 $0xFFFFC000  }
0x1dd: {  	_ =	swait.ge [sflag:s31], $0x4000  }
.Ltmp6:
0x1de: {  	[sflag:s31] =	ssyncset.done $0x0;
	(pc) =	sbr.rel @p1 .LBB2_14-.Ltmp6, $4  }
0x1df: {  	s6 =	sadd.s32 $0x1480, s8;
	[sflag:s31] =	ssyncadd.s32 $0xFFFFC000  }
0x1e0: {  	[spmem:s1] =	stream.indirect.scatter.add.f32 [tilespmem:s29], [sflag:$0x3], $0x80, s6, s26, $0xb8;
	[tilespmem:$0x1E880] =	vst v63  }
0x1e1: {  	_ =	swait.ge [sflag:s24], $0x4000  }
0x1e2: {  	s6 =	smov.u32 s11;
	[sflag:s24] =	ssyncset.done $0x0  }
0x1e3: {  	s3 =	sshra.s32 s3, $0x2;
	[sflag:s24] =	ssyncadd.s32 $0xFFFFC000  }
0x1e4: {  	[tilespmem:s28], [sflag:$0x1] =	stream.indirect.gather [hbm4b:s4+s26], $0x80, s3, s26, $0xb8;
	[tilespmem:$0x1E880] =	vst v63  }
0x1e5: {  	s6 =	sadd.s32 $0x80, s3  }
0x1e6: {  	[tilespmem:s29], [sflag:$0x2] =	stream.indirect.gather [hbm4b:s4+s26], $0x80, s6, s26, $0xb8;
	[tilespmem:$0x1E880] =	vst v63  }
0x1e7: {  	_ =	swait.ge [sflag:s30], $0x4000  }
0x1e8: {  	[sflag:s30] =	ssyncset.done $0x0  }
0x1e9: {  	s11 =	sadd.s32 $0x1400, s3;
	[sflag:s30] =	ssyncadd.s32 $0xFFFFC000  }
0x1ea: {  	[spmem:s1] =	stream.indirect.scatter.add.f32 [tilespmem:s28], [sflag:$0x3], $0x80, s11, s26, $0xb8;
	[tilespmem:$0x1E880] =	vst v63  }
0x1eb: {  	_ =	swait.ge [sflag:s24], $0x4000  }
0x1ec: {  	[sflag:s24] =	ssyncset.done $0x0  }
0x1ed: {  	[sflag:s24] =	ssyncadd.s32 $0xFFFFC000  }
0x1ee: {  	_ =	swait.ge [sflag:s31], $0x4000  }
0x1ef: {  	[sflag:s31] =	ssyncset.done $0x0  }
0x1f0: {  	s3 =	sadd.s32 $0x1480, s3;
	[sflag:s31] =	ssyncadd.s32 $0xFFFFC000  }
0x1f1: {  	[spmem:s1] =	stream.indirect.scatter.add.f32 [tilespmem:s29], [sflag:$0x3], $0x80, s3, s26, $0xb8;
	[tilespmem:$0x1E880] =	vst v63  }
0x1f2: {  	_ =	swait.ge [sflag:s24], $0x4000  }
0x1f3: {  	[sflag:s24] =	ssyncset.done $0x0  }
0x1f4: {  	s13 =	simm.s32 $0x0;
	[sflag:s24] =	ssyncadd.s32 $0xFFFFC000  }
0x1f5: {  	[tilespmem:s13], [sflag:$0x3] =	stream.linear.gather [hbm4b:s21+s13], $0x1300, $0x38;
	[tilespmem:$0x1E880] =	vst v63  }
0x1f6: {  	_ =	swait.ge [sflag:s24], $0x1300  }
0x1f7: {  	[sflag:s24] =	ssyncset.done $0x0  }
0x1f8: {  	[sflag:s24] =	ssyncadd.s32 $0xFFFFED00  }
0x1f9: {  	[tilespmem:s25], [sflag:$0x3] =	stream.linear.gather [hbm4b:s12+s13], $0x1300, $0x38;
	[tilespmem:$0x1E880] =	vst v63  }
0x1fa: {  	_ =	swait.ge [sflag:s24], $0x1300  }
0x1fb: {  	[sflag:s24] =	ssyncset.done $0x0  }
0x1fc: {  	s6 =	simm.s32 $0x0;
	[sflag:s24] =	ssyncadd.s32 $0xFFFFED00  }
0x1fd: {  	[tilespmem:s28], [sflag:$0x1] =	stream.indirect.gather [hbm4b:s4+s26], $0x80, s6, s26, $0xb8;
	[tilespmem:$0x1E880] =	vst v63  }
0x1fe: {  	s8 =	simm.s32 $0x80  }
0x1ff: {  	[tilespmem:s29], [sflag:$0x2] =	stream.indirect.gather [hbm4b:s4+s26], $0x80, s8, s26, $0xb8;
	[tilespmem:$0x1E880] =	vst v63  }
0x200: {  	_ =	swait.ge [sflag:s30], $0x4000  }
0x201: {  	[sflag:s30] =	ssyncset.done $0x0  }
0x202: {  	s11 =	simm.s32 $0x1400;
	[sflag:s30] =	ssyncadd.s32 $0xFFFFC000  }
0x203: {  	[spmem:s1] =	stream.indirect.scatter.add.f32 [tilespmem:s28], [sflag:$0x3], $0x80, s11, s26, $0xb8;
	[tilespmem:$0x1E880] =	vst v63  }
0x204: {  	_ =	swait.ge [sflag:s24], $0x4000  }
0x205: {  	[sflag:s24] =	ssyncset.done $0x0  }
0x206: {  	[sflag:s24] =	ssyncadd.s32 $0xFFFFC000  }
0x207: {  	_ =	swait.ge [sflag:s31], $0x4000  }
0x208: {  	[sflag:s31] =	ssyncset.done $0x0  }
0x209: {  	s13 =	simm.s32 $0x1480;
	[sflag:s31] =	ssyncadd.s32 $0xFFFFC000  }
0x20a: {  	[spmem:s1] =	stream.indirect.scatter.add.f32 [tilespmem:s29], [sflag:$0x3], $0x80, s13, s26, $0xb8;
	[tilespmem:$0x1E880] =	vst v63  }
0x20b: {  	_ =	swait.ge [sflag:s24], $0x4000  }
0x20c: {  	s3 =	simm.s32 $0x400;
	s6 =	simm.s32 $0x800;
	[sflag:s24] =	ssyncset.done $0x0  }
.LBB2_16:
0x20d: {  	s8 =	sshra.s32 s3, $0x2  }
0x20e: {  	[sflag:s24] =	ssyncadd.s32 $0xFFFFC000;
	s3 =	smov.u32 s6;
	s11 =	sadd.s32 $0x400, s6  }
0x20f: {  	[tilespmem:s28], [sflag:$0x1] =	stream.indirect.gather [hbm4b:s4+s26], $0x80, s8, s26, $0xb8;
	[tilespmem:$0x1E880] =	vst v63  }
0x210: {  	p1 =	sne.s32 s6, $0x4800;
	s6 =	sadd.s32 $0x80, s8  }
0x211: {  	[tilespmem:s29], [sflag:$0x2] =	stream.indirect.gather [hbm4b:s4+s26], $0x80, s6, s26, $0xb8;
	[tilespmem:$0x1E880] =	vst v63  }
0x212: {  	_ =	swait.ge [sflag:s30], $0x4000  }
0x213: {  	[sflag:s30] =	ssyncset.done $0x0  }
0x214: {  	s6 =	sadd.s32 $0x1400, s8;
	[sflag:s30] =	ssyncadd.s32 $0xFFFFC000  }
0x215: {  	[spmem:s1] =	stream.indirect.scatter.add.f32 [tilespmem:s28], [sflag:$0x3], $0x80, s6, s26, $0xb8;
	[tilespmem:$0x1E880] =	vst v63  }
0x216: {  	_ =	swait.ge [sflag:s24], $0x4000  }
0x217: {  	[sflag:s24] =	ssyncset.done $0x0  }
0x218: {  	[sflag:s24] =	ssyncadd.s32 $0xFFFFC000  }
0x219: {  	_ =	swait.ge [sflag:s31], $0x4000  }
.Ltmp7:
0x21a: {  	[sflag:s31] =	ssyncset.done $0x0;
	(pc) =	sbr.rel @p1 .LBB2_16-.Ltmp7, $4  }
0x21b: {  	s6 =	sadd.s32 $0x1480, s8;
	[sflag:s31] =	ssyncadd.s32 $0xFFFFC000  }
0x21c: {  	[spmem:s1] =	stream.indirect.scatter.add.f32 [tilespmem:s29], [sflag:$0x3], $0x80, s6, s26, $0xb8;
	[tilespmem:$0x1E880] =	vst v63  }
0x21d: {  	_ =	swait.ge [sflag:s24], $0x4000  }
0x21e: {  	s6 =	smov.u32 s11;
	[sflag:s24] =	ssyncset.done $0x0  }
0x21f: {  	s3 =	sshra.s32 s3, $0x2;
	[sflag:s24] =	ssyncadd.s32 $0xFFFFC000  }
0x220: {  	[tilespmem:s28], [sflag:$0x1] =	stream.indirect.gather [hbm4b:s4+s26], $0x80, s3, s26, $0xb8;
	[tilespmem:$0x1E880] =	vst v63  }
0x221: {  	s6 =	sadd.s32 $0x80, s3  }
0x222: {  	[tilespmem:s29], [sflag:$0x2] =	stream.indirect.gather [hbm4b:s4+s26], $0x80, s6, s26, $0xb8;
	[tilespmem:$0x1E880] =	vst v63  }
0x223: {  	_ =	swait.ge [sflag:s30], $0x4000  }
0x224: {  	[sflag:s30] =	ssyncset.done $0x0  }
0x225: {  	s13 =	sadd.s32 $0x1400, s3;
	[sflag:s30] =	ssyncadd.s32 $0xFFFFC000  }
0x226: {  	[spmem:s1] =	stream.indirect.scatter.add.f32 [tilespmem:s28], [sflag:$0x3], $0x80, s13, s26, $0xb8;
	[tilespmem:$0x1E880] =	vst v63  }
0x227: {  	_ =	swait.ge [sflag:s24], $0x4000  }
0x228: {  	[sflag:s24] =	ssyncset.done $0x0  }
0x229: {  	[sflag:s24] =	ssyncadd.s32 $0xFFFFC000  }
0x22a: {  	_ =	swait.ge [sflag:s31], $0x4000  }
0x22b: {  	[sflag:s31] =	ssyncset.done $0x0  }
0x22c: {  	s3 =	sadd.s32 $0x1480, s3;
	[sflag:s31] =	ssyncadd.s32 $0xFFFFC000  }
0x22d: {  	[spmem:s1] =	stream.indirect.scatter.add.f32 [tilespmem:s29], [sflag:$0x3], $0x80, s3, s26, $0xb8;
	[tilespmem:$0x1E880] =	vst v63  }
0x22e: {  	_ =	swait.ge [sflag:s24], $0x4000  }
0x22f: {  	[sflag:s24] =	ssyncset.done $0x0  }
0x230: {  	s0 =	sadd.s32 $0x1, s0;
	[sflag:s24] =	ssyncadd.s32 $0xFFFFC000  }
0x231: {  	p1 =	sne.s32 s0, s23;
	[bflag:$0x0] =	sbarrier.arrive $0xFFFF  }
0x232: {  	[hbm:s22], [sflag:s7] =	dma.local [spmem:s2], $0x2800  }
.Ltmp8:
0x233: {  	_ =	swait.ge [sflag:s24], $0x2800;
	(pc) =	sbr.rel @p1 .LBB2_1-.Ltmp8, $3  }
0x234: {  	[sflag:s24] =	ssyncset.done $0x0  }
0x235: {  	[sflag:s24] =	ssyncadd.s32 $0xFFFFD800  }
0x236: {  	[bflag:$0x0] =	sbarrier.arrive $0xFFFF;
	_ =	sdelay $0x1  }
0x237: {  	_ =	sfence.sel $0x180000  }
0x238: {  	[bflag:$0x0] =	sbarrier.arrive $0xFFFF  }
0x239: {  	_ =	strace $0x90000047  }
0x23a: {  	s0 =	stileid.u32;
	[bflag:$0x2] =	sbarrier.arrive $0xFFFF  }
0x23b: {  	p0 =	sne.s32 s0, $0x0;
	s0 =	rddreg [dreg:$0x4]  }
0x23c: {  	s0 =	sadd.s32 @!p0 $0x100000, s0  }
0x23d: {  	[sflag:s0] =	ssyncadd.tile.s32 @!p0 $0x1;
	_ =	shalt  }
.Lfunc_end2:
_tile_overlayer_lowered:
.L_overlay_start_2:
0x23e: {  	(tag) =	ssettag $0x2  }
0x23f: {  	s0 =	rddreg [dreg:$0x0];
	s2 =	stileid.u32  }
0x240: {  	s1 =	rddreg [dreg:$0x1];
	p0 =	sne.s32 s2, $0x0  }
0x241: {  	s3 =	rddreg [dreg:$0x2];
	[bflag:$0x3] =	sbarrier.arrive $0xFFFF;
	s2 =	simm.s32 @!p0 $0x1C03  }
0x242: {  	[timem:s3], [sflag:s2] =	dma.local @!p0 [hbm:s0], s1  }
0x243: {  	s0 =	simm.s32 @!p0 $0x3  }
0x244: {  	_ =	swait.ge @!p0 [sflag:s0], s1  }
0x245: {  	s1 =	ssub.s32 @!p0 $0x0, s1;
	[sflag:s0] =	ssyncset.done @!p0 $0x0  }
0x246: {  	[sflag:s0] =	ssyncadd.s32 @!p0 s1  }
0x247: {  	[bflag:$0x3] =	sbarrier.arrive $0xFFFF  }
0x248: {  	_ =	shalt  }

</sc_bundles>
